<compile_context>
chip_gen: v7x
topology: tpu7x:2x2x1
jax: 0.10.2.dev20260603
libtpu: 0.0.44.dev20260713+nightly
codegen_flags: <defaults>
</compile_context>

<pallas_src>
import functools
import math

import jax
import jax.numpy as jnp
import numpy as np
from jax.experimental import pallas as pl
from jax.experimental.pallas import tpu as pltpu

_B, _L, _H, _D = 4, 2048, 16, 64
_FACTOR = 5
_U = min(_FACTOR * int(math.ceil(math.log(_L))), _L)

_HIGH = jax.lax.Precision.HIGHEST


def _threefry2x32(k1, k2, x0, x1):
    rot0 = (13, 15, 26, 6)
    rot1 = (17, 29, 16, 24)
    k1 = np.uint32(k1)
    k2 = np.uint32(k2)
    ks = [k1, k2, np.uint32(k1 ^ k2 ^ np.uint32(0x1BD11BDA))]
    x0 = (x0 + ks[0]).astype(np.uint32)
    x1 = (x1 + ks[1]).astype(np.uint32)

    def rnd(a, b, r):
        a = (a + b).astype(np.uint32)
        b = ((b << np.uint32(r)) | (b >> np.uint32(32 - r))).astype(np.uint32)
        return a, a ^ b

    for i, rs in enumerate([rot0, rot1, rot0, rot1, rot0]):
        for r in rs:
            x0, x1 = rnd(x0, x1, r)
        x0 = (x0 + ks[(i + 1) % 3]).astype(np.uint32)
        x1 = (x1 + ks[(i + 2) % 3] + np.uint32(i + 1)).astype(np.uint32)
    return x0, x1


def _sample_indices() -> np.ndarray:
    b1, b2 = _threefry2x32(np.uint32(0), np.uint32(42),
                           np.zeros(2, np.uint32),
                           np.arange(2, dtype=np.uint32))
    sk1, sk2 = b1[1], b2[1]
    n = _L * _U
    y0, y1 = _threefry2x32(sk1, sk2, np.zeros(n, np.uint32),
                           np.arange(n, dtype=np.uint32))
    bits = y0 ^ y1
    return (bits % np.uint32(_L)).astype(np.int32).reshape(_L, _U)


def _count_matrix() -> np.ndarray:
    idx = _sample_indices()
    c = np.zeros((_L, _L), np.int8)
    np.add.at(c, (np.arange(_L)[:, None], idx), 1)
    return c


_COUNTS = _count_matrix()
_COUNTS_F32 = _COUNTS.astype(np.float32)
_NEGMASK_F32 = np.where(_COUNTS > 0, 0.0, -1e30).astype(np.float32)


def _m_kernel(c_ref, nm_ref, q_ref, k_ref, m_ref, *, tl, kc):
    lt = pl.program_id(2)
    q = q_ref[0, 0, :, :].astype(jnp.bfloat16)
    m_max = None
    m_sum = None
    for c in range(_L // kc):
        k = k_ref[0, 0, c * kc:(c + 1) * kc, :].astype(jnp.bfloat16)
        s = jax.lax.dot_general(
            q, k, (((1,), (1,)), ((), ())),
            preferred_element_type=jnp.float32)
        cnt = c_ref[pl.ds(lt * tl, tl), c * kc:(c + 1) * kc]
        neg = nm_ref[pl.ds(lt * tl, tl), c * kc:(c + 1) * kc]
        cmax = jnp.max(s + neg, axis=1)
        csum = jnp.sum(s * cnt, axis=1)
        m_max = cmax if m_max is None else jnp.maximum(m_max, cmax)
        m_sum = csum if m_sum is None else m_sum + csum
    m_ref[0, 0, :] = m_max - m_sum * (1.0 / _L)


def _topk_kernel(m_ref, out_ref):
    rows = _B * _H
    m = m_ref[...]
    iota_l = jax.lax.broadcasted_iota(jnp.int32, (rows, _L), 1)
    iota_u = jax.lax.broadcasted_iota(jnp.int32, (rows, 128), 1)

    def body(i, carry):
        cur, acc = carry
        vmax = jnp.max(cur, axis=1, keepdims=True)
        cand = jnp.where(cur == vmax, iota_l, _L)
        amin = jnp.min(cand, axis=1, keepdims=True)
        acc = jnp.where(iota_u == i, amin, acc)
        cur = jnp.where(iota_l == amin, -jnp.inf, cur)
        return cur, acc

    _, acc = jax.lax.fori_loop(
        0, _U, body, (m, jnp.zeros((rows, 128), jnp.int32)))
    out_ref[...] = acc


def _attn_kernel(mtop_ref, q_ref, k_ref, v_ref, out_ref, qr_ref):
    b = pl.program_id(0)
    h = pl.program_id(1)
    bh = b * _H + h
    k = k_ref[0, 0, :, :]
    v = v_ref[0, 0, :, :]

    for i in range(_U):
        qr_ref[i, :] = q_ref[0, 0, mtop_ref[bh, i], :]
    qr = qr_ref[...]

    s = jax.lax.dot_general(
        qr.astype(jnp.bfloat16), k.astype(jnp.bfloat16),
        (((1,), (1,)), ((), ())),
        preferred_element_type=jnp.float32)
    s = s * (1.0 / math.sqrt(_D))
    smax = jnp.max(s, axis=1, keepdims=True)
    e = jnp.exp(s - smax)
    p = e / jnp.sum(e, axis=1, keepdims=True)
    upd = jax.lax.dot_general(
        p.astype(jnp.bfloat16), v.astype(jnp.bfloat16),
        (((1,), (0,)), ((), ())),
        preferred_element_type=jnp.float32)

    vmean = jnp.mean(v, axis=0, keepdims=True)
    out_ref[0, 0, :, :] = jnp.broadcast_to(vmean, (_L, _D))
    for i in range(_U):
        out_ref[0, 0, pl.ds(mtop_ref[bh, i], 1), :] = upd[i:i + 1, :]


def kernel(queries, keys, values):
    B, L, H, D = queries.shape
    cnt = jnp.asarray(_COUNTS_F32)
    neg = jnp.asarray(_NEGMASK_F32)
    qt = jnp.transpose(queries, (0, 2, 1, 3))
    kt = jnp.transpose(keys, (0, 2, 1, 3))
    vt = jnp.transpose(values, (0, 2, 1, 3))

    tl = 512
    m = pl.pallas_call(
        functools.partial(_m_kernel, tl=tl, kc=512),
        grid=(B, H, L // tl),
        in_specs=[
            pl.BlockSpec((L, L), lambda b, h, lt: (0, 0)),
            pl.BlockSpec((L, L), lambda b, h, lt: (0, 0)),
            pl.BlockSpec((1, 1, tl, D), lambda b, h, lt: (b, h, lt, 0)),
            pl.BlockSpec((1, 1, L, D), lambda b, h, lt: (b, h, 0, 0)),
        ],
        out_specs=pl.BlockSpec((1, 1, tl), lambda b, h, lt: (b * H + h, 0, lt)),
        out_shape=jax.ShapeDtypeStruct((B * H, 1, L), jnp.float32),
    )(cnt, neg, qt, kt)

    m2 = m.reshape(B * H, L)
    mtop = pl.pallas_call(
        _topk_kernel,
        in_specs=[pl.BlockSpec((B * H, L), lambda: (0, 0))],
        out_specs=pl.BlockSpec((B * H, 128), lambda: (0, 0)),
        out_shape=jax.ShapeDtypeStruct((B * H, 128), jnp.int32),
    )(m2)

    out = pl.pallas_call(
        _attn_kernel,
        grid_spec=pltpu.PrefetchScalarGridSpec(
            num_scalar_prefetch=1,
            grid=(B, H),
            in_specs=[
                pl.BlockSpec((1, 1, L, D), lambda b, h, mt: (b, h, 0, 0)),
                pl.BlockSpec((1, 1, L, D), lambda b, h, mt: (b, h, 0, 0)),
                pl.BlockSpec((1, 1, L, D), lambda b, h, mt: (b, h, 0, 0)),
            ],
            out_specs=pl.BlockSpec((1, 1, L, D), lambda b, h, mt: (b, h, 0, 0)),
            scratch_shapes=[pltpu.VMEM((_U, D), jnp.float32)],
        ),
        out_shape=jax.ShapeDtypeStruct((B, H, L, D), jnp.float32),
    )(mtop, qt, kt, vt)
    return jnp.transpose(out, (0, 2, 1, 3))

# --- scband reference (transcript-rebuilt; emitter-appended) ---
"""Pipeline reference for scband-prob-attention-57294863729124 (READ-ONLY COPY).

The authoritative reference and input builder live on the scoring server;
editing this copy changes nothing except your own understanding.
"""

import jax, jax.numpy as jnp
import numpy as np
import math


def setup_inputs(seed: int = 0) -> dict:
    key = jax.random.key(seed)
    kq, kk, kv = jax.random.split(key, 3)
    B, L, H, D = 4, 2048, 16, 64
    queries = jax.random.normal(kq, (B, L, H, D), dtype=jnp.float32)
    keys = jax.random.normal(kk, (B, L, H, D), dtype=jnp.float32)
    values = jax.random.normal(kv, (B, L, H, D), dtype=jnp.float32)
    return {"queries": queries, "keys": keys, "values": values}


def reference(queries, keys, values):
    factor = 5
    mask_flag = False
    B, L_Q, H, D = queries.shape
    L_K = keys.shape[1]
    # [B, L, H, D] -> [B, H, L, D]
    Q = jnp.transpose(queries, (0, 2, 1, 3))
    K = jnp.transpose(keys, (0, 2, 1, 3))
    V = jnp.transpose(values, (0, 2, 1, 3))

    U_part = min(factor * int(math.ceil(math.log(L_K))), L_K)
    u = min(factor * int(math.ceil(math.log(L_Q))), L_Q)

    # _prob_QK: sample U_part keys per query position (fixed seed replaces torch.randint)
    skey = jax.random.key(42)
    index_sample = jax.random.randint(skey, (L_Q, U_part), 0, L_K)  # [L_Q, U_part]
    K_sample = K[:, :, index_sample, :]  # [B, H, L_Q, U_part, D]
    Q_K_sample = jnp.einsum('bhld,bhlsd->bhls', Q, K_sample)  # [B, H, L_Q, U_part]
    M = Q_K_sample.max(axis=-1) - Q_K_sample.sum(axis=-1) / L_K  # [B, H, L_Q]
    _, M_top = jax.lax.top_k(M, u)  # [B, H, u]
    Q_reduce = jnp.take_along_axis(Q, M_top[..., None], axis=2)  # [B, H, u, D]
    Q_K = jnp.einsum('bhud,bhkd->bhuk', Q_reduce, K)  # [B, H, u, L_K]

    scale = 1.0 / math.sqrt(D)
    scores_top = Q_K * scale

    # _get_initial_context (mask_flag=False -> mean context)
    if not mask_flag:
        V_mean = V.mean(axis=-2)  # [B, H, D]
        context = jnp.broadcast_to(V_mean[:, :, None, :], (B, H, L_Q, D))
    else:
        context = jnp.cumsum(V, axis=-2)

    attn = jax.nn.softmax(scores_top, axis=-1)  # [B, H, u, L_K]
    upd = jnp.einsum('bhuk,bhkd->bhud', attn, V)  # [B, H, u, D]
    b_idx = jnp.arange(B)[:, None, None]
    h_idx = jnp.arange(H)[None, :, None]
    context = context.at[b_idx, h_idx, M_top].set(upd)
    return jnp.transpose(context, (0, 2, 1, 3))  # [B, L_Q, H, D]

if __name__ == "__main__":
    import jax
    _d = setup_inputs()
    print(jax.jit(kernel)(*tuple(_d.values())))

</pallas_src>

<mosaic_0001>
module attributes {stable_mosaic.version = 14 : i64} {
  func.func @_m_kernel(%arg0: i32, %arg1: i32, %arg2: i32, %arg3: memref<2048x2048xf32, #tpu.memory_space<vmem>>, %arg4: memref<2048x2048xf32, #tpu.memory_space<vmem>>, %arg5: memref<1x1x512x64xf32, #tpu.memory_space<vmem>>, %arg6: memref<1x1x2048x64xf32, #tpu.memory_space<vmem>>, %arg7: memref<1x1x512xf32, #tpu.memory_space<vmem>>) attributes {dimension_semantics = [#tpu.dimension_semantics<arbitrary>, #tpu.dimension_semantics<arbitrary>, #tpu.dimension_semantics<arbitrary>], iteration_bounds = array<i64: 4, 16, 4>, scalar_prefetch = 0 : i64, scratch_operands = 0 : i64, tpu.core_type = #tpu.core_type<tc>, window_params = [{pipeline_mode = #tpu.pipeline_mode<synchronous>, transform_indices = @transform_0, window_bounds = array<i64: 2048, 2048>}, {pipeline_mode = #tpu.pipeline_mode<synchronous>, transform_indices = @transform_1, window_bounds = array<i64: 2048, 2048>}, {transform_indices = @transform_2, window_bounds = array<i64: 1, 1, 512, 64>}, {transform_indices = @transform_3, window_bounds = array<i64: 1, 1, 2048, 64>}, {transform_indices = @transform_4, window_bounds = array<i64: 1, 1, 512>}]} {
    %get3A = arith.constant 0 : index
    %get3A_0 = arith.constant 0 : index
    %get3A_1 = arith.constant 0 : index
    %get3A_2 = arith.constant 0 : index
    %get3A_3 = vector.load %arg5[%get3A, %get3A_0, %get3A_1, %get3A_2] : memref<1x1x512x64xf32, #tpu.memory_space<vmem>>, vector<1x1x512x64xf32>
    %get3A_4 = vector.shape_cast %get3A_3 : vector<1x1x512x64xf32> to vector<512x64xf32>
    %convert_element_type3A = arith.truncf %get3A_4 : vector<512x64xf32> to vector<512x64xbf16>
    %get3A_5 = arith.constant 0 : index
    %get3A_6 = arith.constant 0 : index
    %get3A_7 = arith.constant 0 : index
    %get3A_8 = arith.constant 0 : index
    %get3A_9 = vector.load %arg6[%get3A_5, %get3A_6, %get3A_7, %get3A_8] : memref<1x1x2048x64xf32, #tpu.memory_space<vmem>>, vector<1x1x512x64xf32>
    %get3A_10 = vector.shape_cast %get3A_9 : vector<1x1x512x64xf32> to vector<512x64xf32>
    %convert_element_type3A_11 = arith.truncf %get3A_10 : vector<512x64xf32> to vector<512x64xbf16>
    %dot_general3A = arith.constant dense<0.000000e+00> : vector<512x512xf32>
    %dot_general3A_12 = tpu.matmul %convert_element_type3A, %convert_element_type3A_11, %dot_general3A {dimension_numbers = #tpu.dot_dimension_numbers<[1], [1], [0], [0], [0, 0, 1, 0], [], []>, transpose_lhs_hint = false} : vector<512x64xbf16>, vector<512x64xbf16>, vector<512x512xf32> -> vector<512x512xf32>
    %mul3A = arith.constant 512 : i32
    %mul3A_13 = arith.muli %arg2, %mul3A : i32
    %get3A_14 = arith.index_cast %mul3A_13 : i32 to index
    %get3A_15 = arith.constant 0 : index
    %get3A_16 = vector.load %arg3[%get3A_14, %get3A_15] : memref<2048x2048xf32, #tpu.memory_space<vmem>>, vector<512x512xf32>
    %mul3A_17 = arith.constant 512 : i32
    %mul3A_18 = arith.muli %arg2, %mul3A_17 : i32
    %get3A_19 = arith.index_cast %mul3A_18 : i32 to index
    %get3A_20 = arith.constant 0 : index
    %get3A_21 = vector.load %arg4[%get3A_19, %get3A_20] : memref<2048x2048xf32, #tpu.memory_space<vmem>>, vector<512x512xf32>
    %add3A = arith.addf %dot_general3A_12, %get3A_21 : vector<512x512xf32>
    %reduce_max3A = arith.constant dense<0xFF800000> : vector<512xf32>
    %reduce_max3A_22 = vector.multi_reduction <maximumf>, %add3A, %reduce_max3A [1] : vector<512x512xf32> to vector<512xf32>
    %mul3A_23 = arith.mulf %dot_general3A_12, %get3A_16 : vector<512x512xf32>
    %reduce_sum3A = arith.constant dense<0.000000e+00> : vector<512xf32>
    %reduce_sum3A_24 = vector.multi_reduction <add>, %mul3A_23, %reduce_sum3A [1] : vector<512x512xf32> to vector<512xf32>
    %get3A_25 = arith.constant 0 : index
    %get3A_26 = arith.constant 0 : index
    %get3A_27 = arith.constant 512 : index
    %get3A_28 = arith.constant 0 : index
    %get3A_29 = vector.load %arg6[%get3A_25, %get3A_26, %get3A_27, %get3A_28] : memref<1x1x2048x64xf32, #tpu.memory_space<vmem>>, vector<1x1x512x64xf32>
    %get3A_30 = vector.shape_cast %get3A_29 : vector<1x1x512x64xf32> to vector<512x64xf32>
    %convert_element_type3A_31 = arith.truncf %get3A_30 : vector<512x64xf32> to vector<512x64xbf16>
    %dot_general3A_32 = arith.constant dense<0.000000e+00> : vector<512x512xf32>
    %dot_general3A_33 = tpu.matmul %convert_element_type3A, %convert_element_type3A_31, %dot_general3A_32 {dimension_numbers = #tpu.dot_dimension_numbers<[1], [1], [0], [0], [0, 0, 1, 0], [], []>, transpose_lhs_hint = false} : vector<512x64xbf16>, vector<512x64xbf16>, vector<512x512xf32> -> vector<512x512xf32>
    %mul3A_34 = arith.constant 512 : i32
    %mul3A_35 = arith.muli %arg2, %mul3A_34 : i32
    %get3A_36 = arith.index_cast %mul3A_35 : i32 to index
    %get3A_37 = arith.constant 512 : index
    %get3A_38 = vector.load %arg3[%get3A_36, %get3A_37] : memref<2048x2048xf32, #tpu.memory_space<vmem>>, vector<512x512xf32>
    %mul3A_39 = arith.constant 512 : i32
    %mul3A_40 = arith.muli %arg2, %mul3A_39 : i32
    %get3A_41 = arith.index_cast %mul3A_40 : i32 to index
    %get3A_42 = arith.constant 512 : index
    %get3A_43 = vector.load %arg4[%get3A_41, %get3A_42] : memref<2048x2048xf32, #tpu.memory_space<vmem>>, vector<512x512xf32>
    %add3A_44 = arith.addf %dot_general3A_33, %get3A_43 : vector<512x512xf32>
    %reduce_max3A_45 = arith.constant dense<0xFF800000> : vector<512xf32>
    %reduce_max3A_46 = vector.multi_reduction <maximumf>, %add3A_44, %reduce_max3A_45 [1] : vector<512x512xf32> to vector<512xf32>
    %mul3A_47 = arith.mulf %dot_general3A_33, %get3A_38 : vector<512x512xf32>
    %reduce_sum3A_48 = arith.constant dense<0.000000e+00> : vector<512xf32>
    %reduce_sum3A_49 = vector.multi_reduction <add>, %mul3A_47, %reduce_sum3A_48 [1] : vector<512x512xf32> to vector<512xf32>
    %max3A = arith.maximumf %reduce_max3A_22, %reduce_max3A_46 : vector<512xf32>
    %add3A_50 = arith.addf %reduce_sum3A_24, %reduce_sum3A_49 : vector<512xf32>
    %get3A_51 = arith.constant 0 : index
    %get3A_52 = arith.constant 0 : index
    %get3A_53 = arith.constant 1024 : index
    %get3A_54 = arith.constant 0 : index
    %get3A_55 = vector.load %arg6[%get3A_51, %get3A_52, %get3A_53, %get3A_54] : memref<1x1x2048x64xf32, #tpu.memory_space<vmem>>, vector<1x1x512x64xf32>
    %get3A_56 = vector.shape_cast %get3A_55 : vector<1x1x512x64xf32> to vector<512x64xf32>
    %convert_element_type3A_57 = arith.truncf %get3A_56 : vector<512x64xf32> to vector<512x64xbf16>
    %dot_general3A_58 = arith.constant dense<0.000000e+00> : vector<512x512xf32>
    %dot_general3A_59 = tpu.matmul %convert_element_type3A, %convert_element_type3A_57, %dot_general3A_58 {dimension_numbers = #tpu.dot_dimension_numbers<[1], [1], [0], [0], [0, 0, 1, 0], [], []>, transpose_lhs_hint = false} : vector<512x64xbf16>, vector<512x64xbf16>, vector<512x512xf32> -> vector<512x512xf32>
    %mul3A_60 = arith.constant 512 : i32
    %mul3A_61 = arith.muli %arg2, %mul3A_60 : i32
    %get3A_62 = arith.index_cast %mul3A_61 : i32 to index
    %get3A_63 = arith.constant 1024 : index
    %get3A_64 = vector.load %arg3[%get3A_62, %get3A_63] : memref<2048x2048xf32, #tpu.memory_space<vmem>>, vector<512x512xf32>
    %mul3A_65 = arith.constant 512 : i32
    %mul3A_66 = arith.muli %arg2, %mul3A_65 : i32
    %get3A_67 = arith.index_cast %mul3A_66 : i32 to index
    %get3A_68 = arith.constant 1024 : index
    %get3A_69 = vector.load %arg4[%get3A_67, %get3A_68] : memref<2048x2048xf32, #tpu.memory_space<vmem>>, vector<512x512xf32>
    %add3A_70 = arith.addf %dot_general3A_59, %get3A_69 : vector<512x512xf32>
    %reduce_max3A_71 = arith.constant dense<0xFF800000> : vector<512xf32>
    %reduce_max3A_72 = vector.multi_reduction <maximumf>, %add3A_70, %reduce_max3A_71 [1] : vector<512x512xf32> to vector<512xf32>
    %mul3A_73 = arith.mulf %dot_general3A_59, %get3A_64 : vector<512x512xf32>
    %reduce_sum3A_74 = arith.constant dense<0.000000e+00> : vector<512xf32>
    %reduce_sum3A_75 = vector.multi_reduction <add>, %mul3A_73, %reduce_sum3A_74 [1] : vector<512x512xf32> to vector<512xf32>
    %max3A_76 = arith.maximumf %max3A, %reduce_max3A_72 : vector<512xf32>
    %add3A_77 = arith.addf %add3A_50, %reduce_sum3A_75 : vector<512xf32>
    %get3A_78 = arith.constant 0 : index
    %get3A_79 = arith.constant 0 : index
    %get3A_80 = arith.constant 1536 : index
    %get3A_81 = arith.constant 0 : index
    %get3A_82 = vector.load %arg6[%get3A_78, %get3A_79, %get3A_80, %get3A_81] : memref<1x1x2048x64xf32, #tpu.memory_space<vmem>>, vector<1x1x512x64xf32>
    %get3A_83 = vector.shape_cast %get3A_82 : vector<1x1x512x64xf32> to vector<512x64xf32>
    %convert_element_type3A_84 = arith.truncf %get3A_83 : vector<512x64xf32> to vector<512x64xbf16>
    %dot_general3A_85 = arith.constant dense<0.000000e+00> : vector<512x512xf32>
    %dot_general3A_86 = tpu.matmul %convert_element_type3A, %convert_element_type3A_84, %dot_general3A_85 {dimension_numbers = #tpu.dot_dimension_numbers<[1], [1], [0], [0], [0, 0, 1, 0], [], []>, transpose_lhs_hint = false} : vector<512x64xbf16>, vector<512x64xbf16>, vector<512x512xf32> -> vector<512x512xf32>
    %mul3A_87 = arith.constant 512 : i32
    %mul3A_88 = arith.muli %arg2, %mul3A_87 : i32
    %get3A_89 = arith.index_cast %mul3A_88 : i32 to index
    %get3A_90 = arith.constant 1536 : index
    %get3A_91 = vector.load %arg3[%get3A_89, %get3A_90] : memref<2048x2048xf32, #tpu.memory_space<vmem>>, vector<512x512xf32>
    %mul3A_92 = arith.constant 512 : i32
    %mul3A_93 = arith.muli %arg2, %mul3A_92 : i32
    %get3A_94 = arith.index_cast %mul3A_93 : i32 to index
    %get3A_95 = arith.constant 1536 : index
    %get3A_96 = vector.load %arg4[%get3A_94, %get3A_95] : memref<2048x2048xf32, #tpu.memory_space<vmem>>, vector<512x512xf32>
    %add3A_97 = arith.addf %dot_general3A_86, %get3A_96 : vector<512x512xf32>
    %reduce_max3A_98 = arith.constant dense<0xFF800000> : vector<512xf32>
    %reduce_max3A_99 = vector.multi_reduction <maximumf>, %add3A_97, %reduce_max3A_98 [1] : vector<512x512xf32> to vector<512xf32>
    %mul3A_100 = arith.mulf %dot_general3A_86, %get3A_91 : vector<512x512xf32>
    %reduce_sum3A_101 = arith.constant dense<0.000000e+00> : vector<512xf32>
    %reduce_sum3A_102 = vector.multi_reduction <add>, %mul3A_100, %reduce_sum3A_101 [1] : vector<512x512xf32> to vector<512xf32>
    %max3A_103 = arith.maximumf %max3A_76, %reduce_max3A_99 : vector<512xf32>
    %add3A_104 = arith.addf %add3A_77, %reduce_sum3A_102 : vector<512xf32>
    %mul3A_105 = arith.constant 4.8828125E-4 : f32
    %mul3A_106 = vector.broadcast %mul3A_105 : f32 to vector<512xf32>
    %mul3A_107 = arith.mulf %add3A_104, %mul3A_106 : vector<512xf32>
    %sub3A = arith.subf %max3A_103, %mul3A_107 : vector<512xf32>
    %swap3A = arith.constant 0 : index
    %swap3A_108 = arith.constant 0 : index
    %swap3A_109 = arith.constant 0 : index
    %swap3A_110 = vector.load %arg7[%swap3A, %swap3A_108, %swap3A_109] : memref<1x1x512xf32, #tpu.memory_space<vmem>>, vector<1x1x512xf32>
    %swap3A_111 = vector.shape_cast %swap3A_110 : vector<1x1x512xf32> to vector<512xf32>
    %swap3A_112 = vector.shape_cast %sub3A : vector<512xf32> to vector<1x1x512xf32>
    tpu.vector_store %arg7[%swap3A, %swap3A_108, %swap3A_109], %swap3A_112 {strides = array<i32>} : memref<1x1x512xf32, #tpu.memory_space<vmem>>, vector<1x1x512xf32>,
    return
  }
  func.func @transform_0(%arg0: i32, %arg1: i32, %arg2: i32) -> (i32, i32) {
    %c0_i32 = arith.constant 0 : i32
    %c0_i32_0 = arith.constant 0 : i32
    %c0_i32_1 = arith.constant 0 : i32
    return %c0_i32, %c0_i32_0 : i32, i32
  }
  func.func @transform_1(%arg0: i32, %arg1: i32, %arg2: i32) -> (i32, i32) {
    %c0_i32 = arith.constant 0 : i32
    %c0_i32_0 = arith.constant 0 : i32
    %c0_i32_1 = arith.constant 0 : i32
    return %c0_i32, %c0_i32_0 : i32, i32
  }
  func.func @transform_2(%arg0: i32, %arg1: i32, %arg2: i32) -> (i32, i32, i32, i32) {
    %c0_i32 = arith.constant 0 : i32
    %c0_i32_0 = arith.constant 0 : i32
    return %arg0, %arg1, %arg2, %c0_i32 : i32, i32, i32, i32
  }
  func.func @transform_3(%arg0: i32, %arg1: i32, %arg2: i32) -> (i32, i32, i32, i32) {
    %c0_i32 = arith.constant 0 : i32
    %c0_i32_0 = arith.constant 0 : i32
    %c0_i32_1 = arith.constant 0 : i32
    return %arg0, %arg1, %c0_i32, %c0_i32_0 : i32, i32, i32, i32
  }
  func.func @transform_4(%arg0: i32, %arg1: i32, %arg2: i32) -> (i32, i32, i32) {
    %mul3A = arith.constant 16 : i32
    %mul3A_0 = arith.muli %arg0, %mul3A : i32
    %add3A = arith.addi %mul3A_0, %arg1 : i32
    %c0_i32 = arith.constant 0 : i32
    %c0_i32_1 = arith.constant 0 : i32
    return %add3A, %c0_i32, %arg2 : i32, i32, i32
  }
}

module attributes {stable_mosaic.version = 14 : i64} {
  func.func @_topk_kernel(%arg0: memref<64x2048xf32, #tpu.memory_space<vmem>>, %arg1: memref<64x128xi32, #tpu.memory_space<vmem>>) attributes {dimension_semantics = [], scalar_prefetch = 0 : i64, scratch_operands = 0 : i64, tpu.core_type = #tpu.core_type<tc>} {
    %get3A = arith.constant 0 : index
    %get3A_0 = arith.constant 0 : index
    %get3A_1 = vector.load %arg0[%get3A, %get3A_0] : memref<64x2048xf32, #tpu.memory_space<vmem>>, vector<64x2048xf32>
    %iota3A = tpu.iota {dimensions = array<i32: 1>} : vector<64x2048xi32>
    %iota3A_2 = tpu.iota {dimensions = array<i32: 1>} : vector<64x128xi32>
    %broadcast_in_dim3A = arith.constant 0 : i32
    %broadcast_in_dim3A_3 = vector.broadcast %broadcast_in_dim3A : i32 to vector<64x128xi32>
    %scan3A = arith.constant 0 : i32
    %scan3A_4 = arith.constant 40 : i32
    %scan3A_5 = arith.addi %scan3A, %scan3A_4 : i32
    %scan3A_6 = arith.constant 1 : i32
    %scan3A_7:2 = scf.for %scan3A_11 = %scan3A to %scan3A_5 step %scan3A_6 iter_args(%scan3A_12 = %get3A_1, %scan3A_13 = %broadcast_in_dim3A_3) -> (vector<64x2048xf32>, vector<64x128xi32>)  : i32 {
      %reduce_max3A = arith.constant dense<0xFF800000> : vector<64xf32>
      %reduce_max3A_14 = vector.multi_reduction <maximumf>, %scan3A_12, %reduce_max3A [1] : vector<64x2048xf32> to vector<64xf32>
      %broadcast_in_dim3A_15 = vector.shape_cast %reduce_max3A_14 : vector<64xf32> to vector<64x1xf32>
      %eq3A = vector.broadcast %broadcast_in_dim3A_15 : vector<64x1xf32> to vector<64x2048xf32>
      %eq3A_16 = arith.cmpf oeq, %scan3A_12, %eq3A : vector<64x2048xf32>
      %jit3A = arith.constant 2048 : i32
      %broadcast_in_dim3A_17 = vector.broadcast %jit3A : i32 to vector<64x2048xi32>
      %select_n3A = arith.select %eq3A_16, %iota3A, %broadcast_in_dim3A_17 : vector<64x2048xi1>, vector<64x2048xi32>
      %reduce_min3A = arith.constant dense<2147483647> : vector<64xi32>
      %reduce_min3A_18 = vector.multi_reduction <minsi>, %select_n3A, %reduce_min3A [1] : vector<64x2048xi32> to vector<64xi32>
      %broadcast_in_dim3A_19 = vector.shape_cast %reduce_min3A_18 : vector<64xi32> to vector<64x1xi32>
      %eq3A_20 = vector.broadcast %scan3A_11 : i32 to vector<64x128xi32>
      %eq3A_21 = arith.cmpi eq, %iota3A_2, %eq3A_20 : vector<64x128xi32>
      %broadcast_in_dim3A_22 = vector.shape_cast %broadcast_in_dim3A_19 : vector<64x1xi32> to vector<64x1xi32>
      %broadcast_in_dim3A_23 = vector.broadcast %broadcast_in_dim3A_22 : vector<64x1xi32> to vector<64x128xi32>
      %select_n3A_24 = arith.select %eq3A_21, %broadcast_in_dim3A_23, %scan3A_13 : vector<64x128xi1>, vector<64x128xi32>
      %eq3A_25 = vector.broadcast %broadcast_in_dim3A_19 : vector<64x1xi32> to vector<64x2048xi32>
      %eq3A_26 = arith.cmpi eq, %iota3A, %eq3A_25 : vector<64x2048xi32>
      %jit3A_27 = arith.constant 0xFF800000 : f32
      %broadcast_in_dim3A_28 = vector.broadcast %jit3A_27 : f32 to vector<64x2048xf32>
      %select_n3A_29 = arith.select %eq3A_26, %broadcast_in_dim3A_28, %scan3A_12 : vector<64x2048xi1>, vector<64x2048xf32>
      scf.yield %select_n3A_29, %select_n3A_24 : vector<64x2048xf32>, vector<64x128xi32>
    }
    %scan3A_8 = arith.constant 40 : i32
    %swap3A = arith.constant 0 : index
    %swap3A_9 = arith.constant 0 : index
    %swap3A_10 = vector.load %arg1[%swap3A, %swap3A_9] : memref<64x128xi32, #tpu.memory_space<vmem>>, vector<64x128xi32>
    tpu.vector_store %arg1[%swap3A, %swap3A_9], %scan3A_7#1 {strides = array<i32>} : memref<64x128xi32, #tpu.memory_space<vmem>>, vector<64x128xi32>,
    return
  }
}

module attributes {stable_mosaic.version = 14 : i64} {
  func.func @_attn_kernel(%arg0: i32, %arg1: i32, %arg2: memref<64x128xi32, #tpu.memory_space<smem>>, %arg3: memref<1x1x2048x64xf32, #tpu.memory_space<vmem>>, %arg4: memref<1x1x2048x64xf32, #tpu.memory_space<vmem>>, %arg5: memref<1x1x2048x64xf32, #tpu.memory_space<vmem>>, %arg6: memref<1x1x2048x64xf32, #tpu.memory_space<vmem>>, %arg7: memref<40x64xf32, #tpu.memory_space<vmem>>) attributes {dimension_semantics = [#tpu.dimension_semantics<arbitrary>, #tpu.dimension_semantics<arbitrary>], iteration_bounds = array<i64: 4, 16>, scalar_prefetch = 1 : i64, scratch_operands = 1 : i64, tpu.core_type = #tpu.core_type<tc>, window_params = [{transform_indices = @transform_0, window_bounds = array<i64: 1, 1, 2048, 64>}, {transform_indices = @transform_1, window_bounds = array<i64: 1, 1, 2048, 64>}, {transform_indices = @transform_2, window_bounds = array<i64: 1, 1, 2048, 64>}, {transform_indices = @transform_3, window_bounds = array<i64: 1, 1, 2048, 64>}]} {
    %mul3A = arith.constant 16 : i32
    %mul3A_0 = arith.muli %arg0, %mul3A : i32
    %add3A = arith.addi %mul3A_0, %arg1 : i32
    %get3A = arith.constant 0 : index
    %get3A_1 = arith.constant 0 : index
    %get3A_2 = arith.constant 0 : index
    %get3A_3 = arith.constant 0 : index
    %get3A_4 = vector.load %arg4[%get3A, %get3A_1, %get3A_2, %get3A_3] : memref<1x1x2048x64xf32, #tpu.memory_space<vmem>>, vector<1x1x2048x64xf32>
    %get3A_5 = vector.shape_cast %get3A_4 : vector<1x1x2048x64xf32> to vector<2048x64xf32>
    %get3A_6 = arith.constant 0 : index
    %get3A_7 = arith.constant 0 : index
    %get3A_8 = arith.constant 0 : index
    %get3A_9 = arith.constant 0 : index
    %get3A_10 = vector.load %arg5[%get3A_6, %get3A_7, %get3A_8, %get3A_9] : memref<1x1x2048x64xf32, #tpu.memory_space<vmem>>, vector<1x1x2048x64xf32>
    %get3A_11 = vector.shape_cast %get3A_10 : vector<1x1x2048x64xf32> to vector<2048x64xf32>
    %get3A_12 = arith.index_cast %add3A : i32 to index
    %get3A_13 = arith.constant 0 : index
    %get3A_14 = memref.load %arg2[%get3A_12, %get3A_13] : memref<64x128xi32, #tpu.memory_space<smem>>
    %get3A_15 = arith.constant 0 : index
    %get3A_16 = arith.constant 0 : index
    %get3A_17 = arith.index_cast %get3A_14 : i32 to index
    %get3A_18 = arith.constant 0 : index
    %get3A_19 = vector.load %arg3[%get3A_15, %get3A_16, %get3A_17, %get3A_18] : memref<1x1x2048x64xf32, #tpu.memory_space<vmem>>, vector<1x1x1x64xf32>
    %get3A_20 = vector.shape_cast %get3A_19 : vector<1x1x1x64xf32> to vector<64xf32>
    %swap3A = arith.constant 0 : index
    %swap3A_21 = arith.constant 0 : index
    %swap3A_22 = vector.load %arg7[%swap3A, %swap3A_21] : memref<40x64xf32, #tpu.memory_space<vmem>>, vector<1x64xf32>
    %swap3A_23 = vector.shape_cast %swap3A_22 : vector<1x64xf32> to vector<64xf32>
    %swap3A_24 = vector.shape_cast %get3A_20 : vector<64xf32> to vector<1x64xf32>
    tpu.vector_store %arg7[%swap3A, %swap3A_21], %swap3A_24 {strides = array<i32>} : memref<40x64xf32, #tpu.memory_space<vmem>>, vector<1x64xf32>,
    %get3A_25 = arith.index_cast %add3A : i32 to index
    %get3A_26 = arith.constant 1 : index
    %get3A_27 = memref.load %arg2[%get3A_25, %get3A_26] : memref<64x128xi32, #tpu.memory_space<smem>>
    %get3A_28 = arith.constant 0 : index
    %get3A_29 = arith.constant 0 : index
    %get3A_30 = arith.index_cast %get3A_27 : i32 to index
    %get3A_31 = arith.constant 0 : index
    %get3A_32 = vector.load %arg3[%get3A_28, %get3A_29, %get3A_30, %get3A_31] : memref<1x1x2048x64xf32, #tpu.memory_space<vmem>>, vector<1x1x1x64xf32>
    %get3A_33 = vector.shape_cast %get3A_32 : vector<1x1x1x64xf32> to vector<64xf32>
    %swap3A_34 = arith.constant 1 : index
    %swap3A_35 = arith.constant 0 : index
    %swap3A_36 = vector.load %arg7[%swap3A_34, %swap3A_35] : memref<40x64xf32, #tpu.memory_space<vmem>>, vector<1x64xf32>
    %swap3A_37 = vector.shape_cast %swap3A_36 : vector<1x64xf32> to vector<64xf32>
    %swap3A_38 = vector.shape_cast %get3A_33 : vector<64xf32> to vector<1x64xf32>
    tpu.vector_store %arg7[%swap3A_34, %swap3A_35], %swap3A_38 {strides = array<i32>} : memref<40x64xf32, #tpu.memory_space<vmem>>, vector<1x64xf32>,
    %get3A_39 = arith.index_cast %add3A : i32 to index
    %get3A_40 = arith.constant 2 : index
    %get3A_41 = memref.load %arg2[%get3A_39, %get3A_40] : memref<64x128xi32, #tpu.memory_space<smem>>
    %get3A_42 = arith.constant 0 : index
    %get3A_43 = arith.constant 0 : index
    %get3A_44 = arith.index_cast %get3A_41 : i32 to index
    %get3A_45 = arith.constant 0 : index
    %get3A_46 = vector.load %arg3[%get3A_42, %get3A_43, %get3A_44, %get3A_45] : memref<1x1x2048x64xf32, #tpu.memory_space<vmem>>, vector<1x1x1x64xf32>
    %get3A_47 = vector.shape_cast %get3A_46 : vector<1x1x1x64xf32> to vector<64xf32>
    %swap3A_48 = arith.constant 2 : index
    %swap3A_49 = arith.constant 0 : index
    %swap3A_50 = vector.load %arg7[%swap3A_48, %swap3A_49] : memref<40x64xf32, #tpu.memory_space<vmem>>, vector<1x64xf32>
    %swap3A_51 = vector.shape_cast %swap3A_50 : vector<1x64xf32> to vector<64xf32>
    %swap3A_52 = vector.shape_cast %get3A_47 : vector<64xf32> to vector<1x64xf32>
    tpu.vector_store %arg7[%swap3A_48, %swap3A_49], %swap3A_52 {strides = array<i32>} : memref<40x64xf32, #tpu.memory_space<vmem>>, vector<1x64xf32>,
    %get3A_53 = arith.index_cast %add3A : i32 to index
    %get3A_54 = arith.constant 3 : index
    %get3A_55 = memref.load %arg2[%get3A_53, %get3A_54] : memref<64x128xi32, #tpu.memory_space<smem>>
    %get3A_56 = arith.constant 0 : index
    %get3A_57 = arith.constant 0 : index
    %get3A_58 = arith.index_cast %get3A_55 : i32 to index
    %get3A_59 = arith.constant 0 : index
    %get3A_60 = vector.load %arg3[%get3A_56, %get3A_57, %get3A_58, %get3A_59] : memref<1x1x2048x64xf32, #tpu.memory_space<vmem>>, vector<1x1x1x64xf32>
    %get3A_61 = vector.shape_cast %get3A_60 : vector<1x1x1x64xf32> to vector<64xf32>
    %swap3A_62 = arith.constant 3 : index
    %swap3A_63 = arith.constant 0 : index
    %swap3A_64 = vector.load %arg7[%swap3A_62, %swap3A_63] : memref<40x64xf32, #tpu.memory_space<vmem>>, vector<1x64xf32>
    %swap3A_65 = vector.shape_cast %swap3A_64 : vector<1x64xf32> to vector<64xf32>
    %swap3A_66 = vector.shape_cast %get3A_61 : vector<64xf32> to vector<1x64xf32>
    tpu.vector_store %arg7[%swap3A_62, %swap3A_63], %swap3A_66 {strides = array<i32>} : memref<40x64xf32, #tpu.memory_space<vmem>>, vector<1x64xf32>,
    %get3A_67 = arith.index_cast %add3A : i32 to index
    %get3A_68 = arith.constant 4 : index
    %get3A_69 = memref.load %arg2[%get3A_67, %get3A_68] : memref<64x128xi32, #tpu.memory_space<smem>>
    %get3A_70 = arith.constant 0 : index
    %get3A_71 = arith.constant 0 : index
    %get3A_72 = arith.index_cast %get3A_69 : i32 to index
    %get3A_73 = arith.constant 0 : index
    %get3A_74 = vector.load %arg3[%get3A_70, %get3A_71, %get3A_72, %get3A_73] : memref<1x1x2048x64xf32, #tpu.memory_space<vmem>>, vector<1x1x1x64xf32>
    %get3A_75 = vector.shape_cast %get3A_74 : vector<1x1x1x64xf32> to vector<64xf32>
    %swap3A_76 = arith.constant 4 : index
    %swap3A_77 = arith.constant 0 : index
    %swap3A_78 = vector.load %arg7[%swap3A_76, %swap3A_77] : memref<40x64xf32, #tpu.memory_space<vmem>>, vector<1x64xf32>
    %swap3A_79 = vector.shape_cast %swap3A_78 : vector<1x64xf32> to vector<64xf32>
    %swap3A_80 = vector.shape_cast %get3A_75 : vector<64xf32> to vector<1x64xf32>
    tpu.vector_store %arg7[%swap3A_76, %swap3A_77], %swap3A_80 {strides = array<i32>} : memref<40x64xf32, #tpu.memory_space<vmem>>, vector<1x64xf32>,
    %get3A_81 = arith.index_cast %add3A : i32 to index
    %get3A_82 = arith.constant 5 : index
    %get3A_83 = memref.load %arg2[%get3A_81, %get3A_82] : memref<64x128xi32, #tpu.memory_space<smem>>
    %get3A_84 = arith.constant 0 : index
    %get3A_85 = arith.constant 0 : index
    %get3A_86 = arith.index_cast %get3A_83 : i32 to index
    %get3A_87 = arith.constant 0 : index
    %get3A_88 = vector.load %arg3[%get3A_84, %get3A_85, %get3A_86, %get3A_87] : memref<1x1x2048x64xf32, #tpu.memory_space<vmem>>, vector<1x1x1x64xf32>
    %get3A_89 = vector.shape_cast %get3A_88 : vector<1x1x1x64xf32> to vector<64xf32>
    %swap3A_90 = arith.constant 5 : index
    %swap3A_91 = arith.constant 0 : index
    %swap3A_92 = vector.load %arg7[%swap3A_90, %swap3A_91] : memref<40x64xf32, #tpu.memory_space<vmem>>, vector<1x64xf32>
    %swap3A_93 = vector.shape_cast %swap3A_92 : vector<1x64xf32> to vector<64xf32>
    %swap3A_94 = vector.shape_cast %get3A_89 : vector<64xf32> to vector<1x64xf32>
    tpu.vector_store %arg7[%swap3A_90, %swap3A_91], %swap3A_94 {strides = array<i32>} : memref<40x64xf32, #tpu.memory_space<vmem>>, vector<1x64xf32>,
    %get3A_95 = arith.index_cast %add3A : i32 to index
    %get3A_96 = arith.constant 6 : index
    %get3A_97 = memref.load %arg2[%get3A_95, %get3A_96] : memref<64x128xi32, #tpu.memory_space<smem>>
    %get3A_98 = arith.constant 0 : index
    %get3A_99 = arith.constant 0 : index
    %get3A_100 = arith.index_cast %get3A_97 : i32 to index
    %get3A_101 = arith.constant 0 : index
    %get3A_102 = vector.load %arg3[%get3A_98, %get3A_99, %get3A_100, %get3A_101] : memref<1x1x2048x64xf32, #tpu.memory_space<vmem>>, vector<1x1x1x64xf32>
    %get3A_103 = vector.shape_cast %get3A_102 : vector<1x1x1x64xf32> to vector<64xf32>
    %swap3A_104 = arith.constant 6 : index
    %swap3A_105 = arith.constant 0 : index
    %swap3A_106 = vector.load %arg7[%swap3A_104, %swap3A_105] : memref<40x64xf32, #tpu.memory_space<vmem>>, vector<1x64xf32>
    %swap3A_107 = vector.shape_cast %swap3A_106 : vector<1x64xf32> to vector<64xf32>
    %swap3A_108 = vector.shape_cast %get3A_103 : vector<64xf32> to vector<1x64xf32>
    tpu.vector_store %arg7[%swap3A_104, %swap3A_105], %swap3A_108 {strides = array<i32>} : memref<40x64xf32, #tpu.memory_space<vmem>>, vector<1x64xf32>,
    %get3A_109 = arith.index_cast %add3A : i32 to index
    %get3A_110 = arith.constant 7 : index
    %get3A_111 = memref.load %arg2[%get3A_109, %get3A_110] : memref<64x128xi32, #tpu.memory_space<smem>>
    %get3A_112 = arith.constant 0 : index
    %get3A_113 = arith.constant 0 : index
    %get3A_114 = arith.index_cast %get3A_111 : i32 to index
    %get3A_115 = arith.constant 0 : index
    %get3A_116 = vector.load %arg3[%get3A_112, %get3A_113, %get3A_114, %get3A_115] : memref<1x1x2048x64xf32, #tpu.memory_space<vmem>>, vector<1x1x1x64xf32>
    %get3A_117 = vector.shape_cast %get3A_116 : vector<1x1x1x64xf32> to vector<64xf32>
    %swap3A_118 = arith.constant 7 : index
    %swap3A_119 = arith.constant 0 : index
    %swap3A_120 = vector.load %arg7[%swap3A_118, %swap3A_119] : memref<40x64xf32, #tpu.memory_space<vmem>>, vector<1x64xf32>
    %swap3A_121 = vector.shape_cast %swap3A_120 : vector<1x64xf32> to vector<64xf32>
    %swap3A_122 = vector.shape_cast %get3A_117 : vector<64xf32> to vector<1x64xf32>
    tpu.vector_store %arg7[%swap3A_118, %swap3A_119], %swap3A_122 {strides = array<i32>} : memref<40x64xf32, #tpu.memory_space<vmem>>, vector<1x64xf32>,
    %get3A_123 = arith.index_cast %add3A : i32 to index
    %get3A_124 = arith.constant 8 : index
    %get3A_125 = memref.load %arg2[%get3A_123, %get3A_124] : memref<64x128xi32, #tpu.memory_space<smem>>
    %get3A_126 = arith.constant 0 : index
    %get3A_127 = arith.constant 0 : index
    %get3A_128 = arith.index_cast %get3A_125 : i32 to index
    %get3A_129 = arith.constant 0 : index
    %get3A_130 = vector.load %arg3[%get3A_126, %get3A_127, %get3A_128, %get3A_129] : memref<1x1x2048x64xf32, #tpu.memory_space<vmem>>, vector<1x1x1x64xf32>
    %get3A_131 = vector.shape_cast %get3A_130 : vector<1x1x1x64xf32> to vector<64xf32>
    %swap3A_132 = arith.constant 8 : index
    %swap3A_133 = arith.constant 0 : index
    %swap3A_134 = vector.load %arg7[%swap3A_132, %swap3A_133] : memref<40x64xf32, #tpu.memory_space<vmem>>, vector<1x64xf32>
    %swap3A_135 = vector.shape_cast %swap3A_134 : vector<1x64xf32> to vector<64xf32>
    %swap3A_136 = vector.shape_cast %get3A_131 : vector<64xf32> to vector<1x64xf32>
    tpu.vector_store %arg7[%swap3A_132, %swap3A_133], %swap3A_136 {strides = array<i32>} : memref<40x64xf32, #tpu.memory_space<vmem>>, vector<1x64xf32>,
    %get3A_137 = arith.index_cast %add3A : i32 to index
    %get3A_138 = arith.constant 9 : index
    %get3A_139 = memref.load %arg2[%get3A_137, %get3A_138] : memref<64x128xi32, #tpu.memory_space<smem>>
    %get3A_140 = arith.constant 0 : index
    %get3A_141 = arith.constant 0 : index
    %get3A_142 = arith.index_cast %get3A_139 : i32 to index
    %get3A_143 = arith.constant 0 : index
    %get3A_144 = vector.load %arg3[%get3A_140, %get3A_141, %get3A_142, %get3A_143] : memref<1x1x2048x64xf32, #tpu.memory_space<vmem>>, vector<1x1x1x64xf32>
    %get3A_145 = vector.shape_cast %get3A_144 : vector<1x1x1x64xf32> to vector<64xf32>
    %swap3A_146 = arith.constant 9 : index
    %swap3A_147 = arith.constant 0 : index
    %swap3A_148 = vector.load %arg7[%swap3A_146, %swap3A_147] : memref<40x64xf32, #tpu.memory_space<vmem>>, vector<1x64xf32>
    %swap3A_149 = vector.shape_cast %swap3A_148 : vector<1x64xf32> to vector<64xf32>
    %swap3A_150 = vector.shape_cast %get3A_145 : vector<64xf32> to vector<1x64xf32>
    tpu.vector_store %arg7[%swap3A_146, %swap3A_147], %swap3A_150 {strides = array<i32>} : memref<40x64xf32, #tpu.memory_space<vmem>>, vector<1x64xf32>,
    %get3A_151 = arith.index_cast %add3A : i32 to index
    %get3A_152 = arith.constant 10 : index
    %get3A_153 = memref.load %arg2[%get3A_151, %get3A_152] : memref<64x128xi32, #tpu.memory_space<smem>>
    %get3A_154 = arith.constant 0 : index
    %get3A_155 = arith.constant 0 : index
    %get3A_156 = arith.index_cast %get3A_153 : i32 to index
    %get3A_157 = arith.constant 0 : index
    %get3A_158 = vector.load %arg3[%get3A_154, %get3A_155, %get3A_156, %get3A_157] : memref<1x1x2048x64xf32, #tpu.memory_space<vmem>>, vector<1x1x1x64xf32>
    %get3A_159 = vector.shape_cast %get3A_158 : vector<1x1x1x64xf32> to vector<64xf32>
    %swap3A_160 = arith.constant 10 : index
    %swap3A_161 = arith.constant 0 : index
    %swap3A_162 = vector.load %arg7[%swap3A_160, %swap3A_161] : memref<40x64xf32, #tpu.memory_space<vmem>>, vector<1x64xf32>
    %swap3A_163 = vector.shape_cast %swap3A_162 : vector<1x64xf32> to vector<64xf32>
    %swap3A_164 = vector.shape_cast %get3A_159 : vector<64xf32> to vector<1x64xf32>
    tpu.vector_store %arg7[%swap3A_160, %swap3A_161], %swap3A_164 {strides = array<i32>} : memref<40x64xf32, #tpu.memory_space<vmem>>, vector<1x64xf32>,
    %get3A_165 = arith.index_cast %add3A : i32 to index
    %get3A_166 = arith.constant 11 : index
    %get3A_167 = memref.load %arg2[%get3A_165, %get3A_166] : memref<64x128xi32, #tpu.memory_space<smem>>
    %get3A_168 = arith.constant 0 : index
    %get3A_169 = arith.constant 0 : index
    %get3A_170 = arith.index_cast %get3A_167 : i32 to index
    %get3A_171 = arith.constant 0 : index
    %get3A_172 = vector.load %arg3[%get3A_168, %get3A_169, %get3A_170, %get3A_171] : memref<1x1x2048x64xf32, #tpu.memory_space<vmem>>, vector<1x1x1x64xf32>
    %get3A_173 = vector.shape_cast %get3A_172 : vector<1x1x1x64xf32> to vector<64xf32>
    %swap3A_174 = arith.constant 11 : index
    %swap3A_175 = arith.constant 0 : index
    %swap3A_176 = vector.load %arg7[%swap3A_174, %swap3A_175] : memref<40x64xf32, #tpu.memory_space<vmem>>, vector<1x64xf32>
    %swap3A_177 = vector.shape_cast %swap3A_176 : vector<1x64xf32> to vector<64xf32>
    %swap3A_178 = vector.shape_cast %get3A_173 : vector<64xf32> to vector<1x64xf32>
    tpu.vector_store %arg7[%swap3A_174, %swap3A_175], %swap3A_178 {strides = array<i32>} : memref<40x64xf32, #tpu.memory_space<vmem>>, vector<1x64xf32>,
    %get3A_179 = arith.index_cast %add3A : i32 to index
    %get3A_180 = arith.constant 12 : index
    %get3A_181 = memref.load %arg2[%get3A_179, %get3A_180] : memref<64x128xi32, #tpu.memory_space<smem>>
    %get3A_182 = arith.constant 0 : index
    %get3A_183 = arith.constant 0 : index
    %get3A_184 = arith.index_cast %get3A_181 : i32 to index
    %get3A_185 = arith.constant 0 : index
    %get3A_186 = vector.load %arg3[%get3A_182, %get3A_183, %get3A_184, %get3A_185] : memref<1x1x2048x64xf32, #tpu.memory_space<vmem>>, vector<1x1x1x64xf32>
    %get3A_187 = vector.shape_cast %get3A_186 : vector<1x1x1x64xf32> to vector<64xf32>
    %swap3A_188 = arith.constant 12 : index
    %swap3A_189 = arith.constant 0 : index
    %swap3A_190 = vector.load %arg7[%swap3A_188, %swap3A_189] : memref<40x64xf32, #tpu.memory_space<vmem>>, vector<1x64xf32>
    %swap3A_191 = vector.shape_cast %swap3A_190 : vector<1x64xf32> to vector<64xf32>
    %swap3A_192 = vector.shape_cast %get3A_187 : vector<64xf32> to vector<1x64xf32>
    tpu.vector_store %arg7[%swap3A_188, %swap3A_189], %swap3A_192 {strides = array<i32>} : memref<40x64xf32, #tpu.memory_space<vmem>>, vector<1x64xf32>,
    %get3A_193 = arith.index_cast %add3A : i32 to index
    %get3A_194 = arith.constant 13 : index
    %get3A_195 = memref.load %arg2[%get3A_193, %get3A_194] : memref<64x128xi32, #tpu.memory_space<smem>>
    %get3A_196 = arith.constant 0 : index
    %get3A_197 = arith.constant 0 : index
    %get3A_198 = arith.index_cast %get3A_195 : i32 to index
    %get3A_199 = arith.constant 0 : index
    %get3A_200 = vector.load %arg3[%get3A_196, %get3A_197, %get3A_198, %get3A_199] : memref<1x1x2048x64xf32, #tpu.memory_space<vmem>>, vector<1x1x1x64xf32>
    %get3A_201 = vector.shape_cast %get3A_200 : vector<1x1x1x64xf32> to vector<64xf32>
    %swap3A_202 = arith.constant 13 : index
    %swap3A_203 = arith.constant 0 : index
    %swap3A_204 = vector.load %arg7[%swap3A_202, %swap3A_203] : memref<40x64xf32, #tpu.memory_space<vmem>>, vector<1x64xf32>
    %swap3A_205 = vector.shape_cast %swap3A_204 : vector<1x64xf32> to vector<64xf32>
    %swap3A_206 = vector.shape_cast %get3A_201 : vector<64xf32> to vector<1x64xf32>
    tpu.vector_store %arg7[%swap3A_202, %swap3A_203], %swap3A_206 {strides = array<i32>} : memref<40x64xf32, #tpu.memory_space<vmem>>, vector<1x64xf32>,
    %get3A_207 = arith.index_cast %add3A : i32 to index
    %get3A_208 = arith.constant 14 : index
    %get3A_209 = memref.load %arg2[%get3A_207, %get3A_208] : memref<64x128xi32, #tpu.memory_space<smem>>
    %get3A_210 = arith.constant 0 : index
    %get3A_211 = arith.constant 0 : index
    %get3A_212 = arith.index_cast %get3A_209 : i32 to index
    %get3A_213 = arith.constant 0 : index
    %get3A_214 = vector.load %arg3[%get3A_210, %get3A_211, %get3A_212, %get3A_213] : memref<1x1x2048x64xf32, #tpu.memory_space<vmem>>, vector<1x1x1x64xf32>
    %get3A_215 = vector.shape_cast %get3A_214 : vector<1x1x1x64xf32> to vector<64xf32>
    %swap3A_216 = arith.constant 14 : index
    %swap3A_217 = arith.constant 0 : index
    %swap3A_218 = vector.load %arg7[%swap3A_216, %swap3A_217] : memref<40x64xf32, #tpu.memory_space<vmem>>, vector<1x64xf32>
    %swap3A_219 = vector.shape_cast %swap3A_218 : vector<1x64xf32> to vector<64xf32>
    %swap3A_220 = vector.shape_cast %get3A_215 : vector<64xf32> to vector<1x64xf32>
    tpu.vector_store %arg7[%swap3A_216, %swap3A_217], %swap3A_220 {strides = array<i32>} : memref<40x64xf32, #tpu.memory_space<vmem>>, vector<1x64xf32>,
    %get3A_221 = arith.index_cast %add3A : i32 to index
    %get3A_222 = arith.constant 15 : index
    %get3A_223 = memref.load %arg2[%get3A_221, %get3A_222] : memref<64x128xi32, #tpu.memory_space<smem>>
    %get3A_224 = arith.constant 0 : index
    %get3A_225 = arith.constant 0 : index
    %get3A_226 = arith.index_cast %get3A_223 : i32 to index
    %get3A_227 = arith.constant 0 : index
    %get3A_228 = vector.load %arg3[%get3A_224, %get3A_225, %get3A_226, %get3A_227] : memref<1x1x2048x64xf32, #tpu.memory_space<vmem>>, vector<1x1x1x64xf32>
    %get3A_229 = vector.shape_cast %get3A_228 : vector<1x1x1x64xf32> to vector<64xf32>
    %swap3A_230 = arith.constant 15 : index
    %swap3A_231 = arith.constant 0 : index
    %swap3A_232 = vector.load %arg7[%swap3A_230, %swap3A_231] : memref<40x64xf32, #tpu.memory_space<vmem>>, vector<1x64xf32>
    %swap3A_233 = vector.shape_cast %swap3A_232 : vector<1x64xf32> to vector<64xf32>
    %swap3A_234 = vector.shape_cast %get3A_229 : vector<64xf32> to vector<1x64xf32>
    tpu.vector_store %arg7[%swap3A_230, %swap3A_231], %swap3A_234 {strides = array<i32>} : memref<40x64xf32, #tpu.memory_space<vmem>>, vector<1x64xf32>,
    %get3A_235 = arith.index_cast %add3A : i32 to index
    %get3A_236 = arith.constant 16 : index
    %get3A_237 = memref.load %arg2[%get3A_235, %get3A_236] : memref<64x128xi32, #tpu.memory_space<smem>>
    %get3A_238 = arith.constant 0 : index
    %get3A_239 = arith.constant 0 : index
    %get3A_240 = arith.index_cast %get3A_237 : i32 to index
    %get3A_241 = arith.constant 0 : index
    %get3A_242 = vector.load %arg3[%get3A_238, %get3A_239, %get3A_240, %get3A_241] : memref<1x1x2048x64xf32, #tpu.memory_space<vmem>>, vector<1x1x1x64xf32>
    %get3A_243 = vector.shape_cast %get3A_242 : vector<1x1x1x64xf32> to vector<64xf32>
    %swap3A_244 = arith.constant 16 : index
    %swap3A_245 = arith.constant 0 : index
    %swap3A_246 = vector.load %arg7[%swap3A_244, %swap3A_245] : memref<40x64xf32, #tpu.memory_space<vmem>>, vector<1x64xf32>
    %swap3A_247 = vector.shape_cast %swap3A_246 : vector<1x64xf32> to vector<64xf32>
    %swap3A_248 = vector.shape_cast %get3A_243 : vector<64xf32> to vector<1x64xf32>
    tpu.vector_store %arg7[%swap3A_244, %swap3A_245], %swap3A_248 {strides = array<i32>} : memref<40x64xf32, #tpu.memory_space<vmem>>, vector<1x64xf32>,
    %get3A_249 = arith.index_cast %add3A : i32 to index
    %get3A_250 = arith.constant 17 : index
    %get3A_251 = memref.load %arg2[%get3A_249, %get3A_250] : memref<64x128xi32, #tpu.memory_space<smem>>
    %get3A_252 = arith.constant 0 : index
    %get3A_253 = arith.constant 0 : index
    %get3A_254 = arith.index_cast %get3A_251 : i32 to index
    %get3A_255 = arith.constant 0 : index
    %get3A_256 = vector.load %arg3[%get3A_252, %get3A_253, %get3A_254, %get3A_255] : memref<1x1x2048x64xf32, #tpu.memory_space<vmem>>, vector<1x1x1x64xf32>
    %get3A_257 = vector.shape_cast %get3A_256 : vector<1x1x1x64xf32> to vector<64xf32>
    %swap3A_258 = arith.constant 17 : index
    %swap3A_259 = arith.constant 0 : index
    %swap3A_260 = vector.load %arg7[%swap3A_258, %swap3A_259] : memref<40x64xf32, #tpu.memory_space<vmem>>, vector<1x64xf32>
    %swap3A_261 = vector.shape_cast %swap3A_260 : vector<1x64xf32> to vector<64xf32>
    %swap3A_262 = vector.shape_cast %get3A_257 : vector<64xf32> to vector<1x64xf32>
    tpu.vector_store %arg7[%swap3A_258, %swap3A_259], %swap3A_262 {strides = array<i32>} : memref<40x64xf32, #tpu.memory_space<vmem>>, vector<1x64xf32>,
    %get3A_263 = arith.index_cast %add3A : i32 to index
    %get3A_264 = arith.constant 18 : index
    %get3A_265 = memref.load %arg2[%get3A_263, %get3A_264] : memref<64x128xi32, #tpu.memory_space<smem>>
    %get3A_266 = arith.constant 0 : index
    %get3A_267 = arith.constant 0 : index
    %get3A_268 = arith.index_cast %get3A_265 : i32 to index
    %get3A_269 = arith.constant 0 : index
    %get3A_270 = vector.load %arg3[%get3A_266, %get3A_267, %get3A_268, %get3A_269] : memref<1x1x2048x64xf32, #tpu.memory_space<vmem>>, vector<1x1x1x64xf32>
    %get3A_271 = vector.shape_cast %get3A_270 : vector<1x1x1x64xf32> to vector<64xf32>
    %swap3A_272 = arith.constant 18 : index
    %swap3A_273 = arith.constant 0 : index
    %swap3A_274 = vector.load %arg7[%swap3A_272, %swap3A_273] : memref<40x64xf32, #tpu.memory_space<vmem>>, vector<1x64xf32>
    %swap3A_275 = vector.shape_cast %swap3A_274 : vector<1x64xf32> to vector<64xf32>
    %swap3A_276 = vector.shape_cast %get3A_271 : vector<64xf32> to vector<1x64xf32>
    tpu.vector_store %arg7[%swap3A_272, %swap3A_273], %swap3A_276 {strides = array<i32>} : memref<40x64xf32, #tpu.memory_space<vmem>>, vector<1x64xf32>,
    %get3A_277 = arith.index_cast %add3A : i32 to index
    %get3A_278 = arith.constant 19 : index
    %get3A_279 = memref.load %arg2[%get3A_277, %get3A_278] : memref<64x128xi32, #tpu.memory_space<smem>>
    %get3A_280 = arith.constant 0 : index
    %get3A_281 = arith.constant 0 : index
    %get3A_282 = arith.index_cast %get3A_279 : i32 to index
    %get3A_283 = arith.constant 0 : index
    %get3A_284 = vector.load %arg3[%get3A_280, %get3A_281, %get3A_282, %get3A_283] : memref<1x1x2048x64xf32, #tpu.memory_space<vmem>>, vector<1x1x1x64xf32>
    %get3A_285 = vector.shape_cast %get3A_284 : vector<1x1x1x64xf32> to vector<64xf32>
    %swap3A_286 = arith.constant 19 : index
    %swap3A_287 = arith.constant 0 : index
    %swap3A_288 = vector.load %arg7[%swap3A_286, %swap3A_287] : memref<40x64xf32, #tpu.memory_space<vmem>>, vector<1x64xf32>
    %swap3A_289 = vector.shape_cast %swap3A_288 : vector<1x64xf32> to vector<64xf32>
    %swap3A_290 = vector.shape_cast %get3A_285 : vector<64xf32> to vector<1x64xf32>
    tpu.vector_store %arg7[%swap3A_286, %swap3A_287], %swap3A_290 {strides = array<i32>} : memref<40x64xf32, #tpu.memory_space<vmem>>, vector<1x64xf32>,
    %get3A_291 = arith.index_cast %add3A : i32 to index
    %get3A_292 = arith.constant 20 : index
    %get3A_293 = memref.load %arg2[%get3A_291, %get3A_292] : memref<64x128xi32, #tpu.memory_space<smem>>
    %get3A_294 = arith.constant 0 : index
    %get3A_295 = arith.constant 0 : index
    %get3A_296 = arith.index_cast %get3A_293 : i32 to index
    %get3A_297 = arith.constant 0 : index
    %get3A_298 = vector.load %arg3[%get3A_294, %get3A_295, %get3A_296, %get3A_297] : memref<1x1x2048x64xf32, #tpu.memory_space<vmem>>, vector<1x1x1x64xf32>
    %get3A_299 = vector.shape_cast %get3A_298 : vector<1x1x1x64xf32> to vector<64xf32>
    %swap3A_300 = arith.constant 20 : index
    %swap3A_301 = arith.constant 0 : index
    %swap3A_302 = vector.load %arg7[%swap3A_300, %swap3A_301] : memref<40x64xf32, #tpu.memory_space<vmem>>, vector<1x64xf32>
    %swap3A_303 = vector.shape_cast %swap3A_302 : vector<1x64xf32> to vector<64xf32>
    %swap3A_304 = vector.shape_cast %get3A_299 : vector<64xf32> to vector<1x64xf32>
    tpu.vector_store %arg7[%swap3A_300, %swap3A_301], %swap3A_304 {strides = array<i32>} : memref<40x64xf32, #tpu.memory_space<vmem>>, vector<1x64xf32>,
    %get3A_305 = arith.index_cast %add3A : i32 to index
    %get3A_306 = arith.constant 21 : index
    %get3A_307 = memref.load %arg2[%get3A_305, %get3A_306] : memref<64x128xi32, #tpu.memory_space<smem>>
    %get3A_308 = arith.constant 0 : index
    %get3A_309 = arith.constant 0 : index
    %get3A_310 = arith.index_cast %get3A_307 : i32 to index
    %get3A_311 = arith.constant 0 : index
    %get3A_312 = vector.load %arg3[%get3A_308, %get3A_309, %get3A_310, %get3A_311] : memref<1x1x2048x64xf32, #tpu.memory_space<vmem>>, vector<1x1x1x64xf32>
    %get3A_313 = vector.shape_cast %get3A_312 : vector<1x1x1x64xf32> to vector<64xf32>
    %swap3A_314 = arith.constant 21 : index
    %swap3A_315 = arith.constant 0 : index
    %swap3A_316 = vector.load %arg7[%swap3A_314, %swap3A_315] : memref<40x64xf32, #tpu.memory_space<vmem>>, vector<1x64xf32>
    %swap3A_317 = vector.shape_cast %swap3A_316 : vector<1x64xf32> to vector<64xf32>
    %swap3A_318 = vector.shape_cast %get3A_313 : vector<64xf32> to vector<1x64xf32>
    tpu.vector_store %arg7[%swap3A_314, %swap3A_315], %swap3A_318 {strides = array<i32>} : memref<40x64xf32, #tpu.memory_space<vmem>>, vector<1x64xf32>,
    %get3A_319 = arith.index_cast %add3A : i32 to index
    %get3A_320 = arith.constant 22 : index
    %get3A_321 = memref.load %arg2[%get3A_319, %get3A_320] : memref<64x128xi32, #tpu.memory_space<smem>>
    %get3A_322 = arith.constant 0 : index
    %get3A_323 = arith.constant 0 : index
    %get3A_324 = arith.index_cast %get3A_321 : i32 to index
    %get3A_325 = arith.constant 0 : index
    %get3A_326 = vector.load %arg3[%get3A_322, %get3A_323, %get3A_324, %get3A_325] : memref<1x1x2048x64xf32, #tpu.memory_space<vmem>>, vector<1x1x1x64xf32>
    %get3A_327 = vector.shape_cast %get3A_326 : vector<1x1x1x64xf32> to vector<64xf32>
    %swap3A_328 = arith.constant 22 : index
    %swap3A_329 = arith.constant 0 : index
    %swap3A_330 = vector.load %arg7[%swap3A_328, %swap3A_329] : memref<40x64xf32, #tpu.memory_space<vmem>>, vector<1x64xf32>
    %swap3A_331 = vector.shape_cast %swap3A_330 : vector<1x64xf32> to vector<64xf32>
    %swap3A_332 = vector.shape_cast %get3A_327 : vector<64xf32> to vector<1x64xf32>
    tpu.vector_store %arg7[%swap3A_328, %swap3A_329], %swap3A_332 {strides = array<i32>} : memref<40x64xf32, #tpu.memory_space<vmem>>, vector<1x64xf32>,
    %get3A_333 = arith.index_cast %add3A : i32 to index
    %get3A_334 = arith.constant 23 : index
    %get3A_335 = memref.load %arg2[%get3A_333, %get3A_334] : memref<64x128xi32, #tpu.memory_space<smem>>
    %get3A_336 = arith.constant 0 : index
    %get3A_337 = arith.constant 0 : index
    %get3A_338 = arith.index_cast %get3A_335 : i32 to index
    %get3A_339 = arith.constant 0 : index
    %get3A_340 = vector.load %arg3[%get3A_336, %get3A_337, %get3A_338, %get3A_339] : memref<1x1x2048x64xf32, #tpu.memory_space<vmem>>, vector<1x1x1x64xf32>
    %get3A_341 = vector.shape_cast %get3A_340 : vector<1x1x1x64xf32> to vector<64xf32>
    %swap3A_342 = arith.constant 23 : index
    %swap3A_343 = arith.constant 0 : index
    %swap3A_344 = vector.load %arg7[%swap3A_342, %swap3A_343] : memref<40x64xf32, #tpu.memory_space<vmem>>, vector<1x64xf32>
    %swap3A_345 = vector.shape_cast %swap3A_344 : vector<1x64xf32> to vector<64xf32>
    %swap3A_346 = vector.shape_cast %get3A_341 : vector<64xf32> to vector<1x64xf32>
    tpu.vector_store %arg7[%swap3A_342, %swap3A_343], %swap3A_346 {strides = array<i32>} : memref<40x64xf32, #tpu.memory_space<vmem>>, vector<1x64xf32>,
    %get3A_347 = arith.index_cast %add3A : i32 to index
    %get3A_348 = arith.constant 24 : index
    %get3A_349 = memref.load %arg2[%get3A_347, %get3A_348] : memref<64x128xi32, #tpu.memory_space<smem>>
    %get3A_350 = arith.constant 0 : index
    %get3A_351 = arith.constant 0 : index
    %get3A_352 = arith.index_cast %get3A_349 : i32 to index
    %get3A_353 = arith.constant 0 : index
    %get3A_354 = vector.load %arg3[%get3A_350, %get3A_351, %get3A_352, %get3A_353] : memref<1x1x2048x64xf32, #tpu.memory_space<vmem>>, vector<1x1x1x64xf32>
    %get3A_355 = vector.shape_cast %get3A_354 : vector<1x1x1x64xf32> to vector<64xf32>
    %swap3A_356 = arith.constant 24 : index
    %swap3A_357 = arith.constant 0 : index
    %swap3A_358 = vector.load %arg7[%swap3A_356, %swap3A_357] : memref<40x64xf32, #tpu.memory_space<vmem>>, vector<1x64xf32>
    %swap3A_359 = vector.shape_cast %swap3A_358 : vector<1x64xf32> to vector<64xf32>
    %swap3A_360 = vector.shape_cast %get3A_355 : vector<64xf32> to vector<1x64xf32>
    tpu.vector_store %arg7[%swap3A_356, %swap3A_357], %swap3A_360 {strides = array<i32>} : memref<40x64xf32, #tpu.memory_space<vmem>>, vector<1x64xf32>,
    %get3A_361 = arith.index_cast %add3A : i32 to index
    %get3A_362 = arith.constant 25 : index
    %get3A_363 = memref.load %arg2[%get3A_361, %get3A_362] : memref<64x128xi32, #tpu.memory_space<smem>>
    %get3A_364 = arith.constant 0 : index
    %get3A_365 = arith.constant 0 : index
    %get3A_366 = arith.index_cast %get3A_363 : i32 to index
    %get3A_367 = arith.constant 0 : index
    %get3A_368 = vector.load %arg3[%get3A_364, %get3A_365, %get3A_366, %get3A_367] : memref<1x1x2048x64xf32, #tpu.memory_space<vmem>>, vector<1x1x1x64xf32>
    %get3A_369 = vector.shape_cast %get3A_368 : vector<1x1x1x64xf32> to vector<64xf32>
    %swap3A_370 = arith.constant 25 : index
    %swap3A_371 = arith.constant 0 : index
    %swap3A_372 = vector.load %arg7[%swap3A_370, %swap3A_371] : memref<40x64xf32, #tpu.memory_space<vmem>>, vector<1x64xf32>
    %swap3A_373 = vector.shape_cast %swap3A_372 : vector<1x64xf32> to vector<64xf32>
    %swap3A_374 = vector.shape_cast %get3A_369 : vector<64xf32> to vector<1x64xf32>
    tpu.vector_store %arg7[%swap3A_370, %swap3A_371], %swap3A_374 {strides = array<i32>} : memref<40x64xf32, #tpu.memory_space<vmem>>, vector<1x64xf32>,
    %get3A_375 = arith.index_cast %add3A : i32 to index
    %get3A_376 = arith.constant 26 : index
    %get3A_377 = memref.load %arg2[%get3A_375, %get3A_376] : memref<64x128xi32, #tpu.memory_space<smem>>
    %get3A_378 = arith.constant 0 : index
    %get3A_379 = arith.constant 0 : index
    %get3A_380 = arith.index_cast %get3A_377 : i32 to index
    %get3A_381 = arith.constant 0 : index
    %get3A_382 = vector.load %arg3[%get3A_378, %get3A_379, %get3A_380, %get3A_381] : memref<1x1x2048x64xf32, #tpu.memory_space<vmem>>, vector<1x1x1x64xf32>
    %get3A_383 = vector.shape_cast %get3A_382 : vector<1x1x1x64xf32> to vector<64xf32>
    %swap3A_384 = arith.constant 26 : index
    %swap3A_385 = arith.constant 0 : index
    %swap3A_386 = vector.load %arg7[%swap3A_384, %swap3A_385] : memref<40x64xf32, #tpu.memory_space<vmem>>, vector<1x64xf32>
    %swap3A_387 = vector.shape_cast %swap3A_386 : vector<1x64xf32> to vector<64xf32>
    %swap3A_388 = vector.shape_cast %get3A_383 : vector<64xf32> to vector<1x64xf32>
    tpu.vector_store %arg7[%swap3A_384, %swap3A_385], %swap3A_388 {strides = array<i32>} : memref<40x64xf32, #tpu.memory_space<vmem>>, vector<1x64xf32>,
    %get3A_389 = arith.index_cast %add3A : i32 to index
    %get3A_390 = arith.constant 27 : index
    %get3A_391 = memref.load %arg2[%get3A_389, %get3A_390] : memref<64x128xi32, #tpu.memory_space<smem>>
    %get3A_392 = arith.constant 0 : index
    %get3A_393 = arith.constant 0 : index
    %get3A_394 = arith.index_cast %get3A_391 : i32 to index
    %get3A_395 = arith.constant 0 : index
    %get3A_396 = vector.load %arg3[%get3A_392, %get3A_393, %get3A_394, %get3A_395] : memref<1x1x2048x64xf32, #tpu.memory_space<vmem>>, vector<1x1x1x64xf32>
    %get3A_397 = vector.shape_cast %get3A_396 : vector<1x1x1x64xf32> to vector<64xf32>
    %swap3A_398 = arith.constant 27 : index
    %swap3A_399 = arith.constant 0 : index
    %swap3A_400 = vector.load %arg7[%swap3A_398, %swap3A_399] : memref<40x64xf32, #tpu.memory_space<vmem>>, vector<1x64xf32>
    %swap3A_401 = vector.shape_cast %swap3A_400 : vector<1x64xf32> to vector<64xf32>
    %swap3A_402 = vector.shape_cast %get3A_397 : vector<64xf32> to vector<1x64xf32>
    tpu.vector_store %arg7[%swap3A_398, %swap3A_399], %swap3A_402 {strides = array<i32>} : memref<40x64xf32, #tpu.memory_space<vmem>>, vector<1x64xf32>,
    %get3A_403 = arith.index_cast %add3A : i32 to index
    %get3A_404 = arith.constant 28 : index
    %get3A_405 = memref.load %arg2[%get3A_403, %get3A_404] : memref<64x128xi32, #tpu.memory_space<smem>>
    %get3A_406 = arith.constant 0 : index
    %get3A_407 = arith.constant 0 : index
    %get3A_408 = arith.index_cast %get3A_405 : i32 to index
    %get3A_409 = arith.constant 0 : index
    %get3A_410 = vector.load %arg3[%get3A_406, %get3A_407, %get3A_408, %get3A_409] : memref<1x1x2048x64xf32, #tpu.memory_space<vmem>>, vector<1x1x1x64xf32>
    %get3A_411 = vector.shape_cast %get3A_410 : vector<1x1x1x64xf32> to vector<64xf32>
    %swap3A_412 = arith.constant 28 : index
    %swap3A_413 = arith.constant 0 : index
    %swap3A_414 = vector.load %arg7[%swap3A_412, %swap3A_413] : memref<40x64xf32, #tpu.memory_space<vmem>>, vector<1x64xf32>
    %swap3A_415 = vector.shape_cast %swap3A_414 : vector<1x64xf32> to vector<64xf32>
    %swap3A_416 = vector.shape_cast %get3A_411 : vector<64xf32> to vector<1x64xf32>
    tpu.vector_store %arg7[%swap3A_412, %swap3A_413], %swap3A_416 {strides = array<i32>} : memref<40x64xf32, #tpu.memory_space<vmem>>, vector<1x64xf32>,
    %get3A_417 = arith.index_cast %add3A : i32 to index
    %get3A_418 = arith.constant 29 : index
    %get3A_419 = memref.load %arg2[%get3A_417, %get3A_418] : memref<64x128xi32, #tpu.memory_space<smem>>
    %get3A_420 = arith.constant 0 : index
    %get3A_421 = arith.constant 0 : index
    %get3A_422 = arith.index_cast %get3A_419 : i32 to index
    %get3A_423 = arith.constant 0 : index
    %get3A_424 = vector.load %arg3[%get3A_420, %get3A_421, %get3A_422, %get3A_423] : memref<1x1x2048x64xf32, #tpu.memory_space<vmem>>, vector<1x1x1x64xf32>
    %get3A_425 = vector.shape_cast %get3A_424 : vector<1x1x1x64xf32> to vector<64xf32>
    %swap3A_426 = arith.constant 29 : index
    %swap3A_427 = arith.constant 0 : index
    %swap3A_428 = vector.load %arg7[%swap3A_426, %swap3A_427] : memref<40x64xf32, #tpu.memory_space<vmem>>, vector<1x64xf32>
    %swap3A_429 = vector.shape_cast %swap3A_428 : vector<1x64xf32> to vector<64xf32>
    %swap3A_430 = vector.shape_cast %get3A_425 : vector<64xf32> to vector<1x64xf32>
    tpu.vector_store %arg7[%swap3A_426, %swap3A_427], %swap3A_430 {strides = array<i32>} : memref<40x64xf32, #tpu.memory_space<vmem>>, vector<1x64xf32>,
    %get3A_431 = arith.index_cast %add3A : i32 to index
    %get3A_432 = arith.constant 30 : index
    %get3A_433 = memref.load %arg2[%get3A_431, %get3A_432] : memref<64x128xi32, #tpu.memory_space<smem>>
    %get3A_434 = arith.constant 0 : index
    %get3A_435 = arith.constant 0 : index
    %get3A_436 = arith.index_cast %get3A_433 : i32 to index
    %get3A_437 = arith.constant 0 : index
    %get3A_438 = vector.load %arg3[%get3A_434, %get3A_435, %get3A_436, %get3A_437] : memref<1x1x2048x64xf32, #tpu.memory_space<vmem>>, vector<1x1x1x64xf32>
    %get3A_439 = vector.shape_cast %get3A_438 : vector<1x1x1x64xf32> to vector<64xf32>
    %swap3A_440 = arith.constant 30 : index
    %swap3A_441 = arith.constant 0 : index
    %swap3A_442 = vector.load %arg7[%swap3A_440, %swap3A_441] : memref<40x64xf32, #tpu.memory_space<vmem>>, vector<1x64xf32>
    %swap3A_443 = vector.shape_cast %swap3A_442 : vector<1x64xf32> to vector<64xf32>
    %swap3A_444 = vector.shape_cast %get3A_439 : vector<64xf32> to vector<1x64xf32>
    tpu.vector_store %arg7[%swap3A_440, %swap3A_441], %swap3A_444 {strides = array<i32>} : memref<40x64xf32, #tpu.memory_space<vmem>>, vector<1x64xf32>,
    %get3A_445 = arith.index_cast %add3A : i32 to index
    %get3A_446 = arith.constant 31 : index
    %get3A_447 = memref.load %arg2[%get3A_445, %get3A_446] : memref<64x128xi32, #tpu.memory_space<smem>>
    %get3A_448 = arith.constant 0 : index
    %get3A_449 = arith.constant 0 : index
    %get3A_450 = arith.index_cast %get3A_447 : i32 to index
    %get3A_451 = arith.constant 0 : index
    %get3A_452 = vector.load %arg3[%get3A_448, %get3A_449, %get3A_450, %get3A_451] : memref<1x1x2048x64xf32, #tpu.memory_space<vmem>>, vector<1x1x1x64xf32>
    %get3A_453 = vector.shape_cast %get3A_452 : vector<1x1x1x64xf32> to vector<64xf32>
    %swap3A_454 = arith.constant 31 : index
    %swap3A_455 = arith.constant 0 : index
    %swap3A_456 = vector.load %arg7[%swap3A_454, %swap3A_455] : memref<40x64xf32, #tpu.memory_space<vmem>>, vector<1x64xf32>
    %swap3A_457 = vector.shape_cast %swap3A_456 : vector<1x64xf32> to vector<64xf32>
    %swap3A_458 = vector.shape_cast %get3A_453 : vector<64xf32> to vector<1x64xf32>
    tpu.vector_store %arg7[%swap3A_454, %swap3A_455], %swap3A_458 {strides = array<i32>} : memref<40x64xf32, #tpu.memory_space<vmem>>, vector<1x64xf32>,
    %get3A_459 = arith.index_cast %add3A : i32 to index
    %get3A_460 = arith.constant 32 : index
    %get3A_461 = memref.load %arg2[%get3A_459, %get3A_460] : memref<64x128xi32, #tpu.memory_space<smem>>
    %get3A_462 = arith.constant 0 : index
    %get3A_463 = arith.constant 0 : index
    %get3A_464 = arith.index_cast %get3A_461 : i32 to index
    %get3A_465 = arith.constant 0 : index
    %get3A_466 = vector.load %arg3[%get3A_462, %get3A_463, %get3A_464, %get3A_465] : memref<1x1x2048x64xf32, #tpu.memory_space<vmem>>, vector<1x1x1x64xf32>
    %get3A_467 = vector.shape_cast %get3A_466 : vector<1x1x1x64xf32> to vector<64xf32>
    %swap3A_468 = arith.constant 32 : index
    %swap3A_469 = arith.constant 0 : index
    %swap3A_470 = vector.load %arg7[%swap3A_468, %swap3A_469] : memref<40x64xf32, #tpu.memory_space<vmem>>, vector<1x64xf32>
    %swap3A_471 = vector.shape_cast %swap3A_470 : vector<1x64xf32> to vector<64xf32>
    %swap3A_472 = vector.shape_cast %get3A_467 : vector<64xf32> to vector<1x64xf32>
    tpu.vector_store %arg7[%swap3A_468, %swap3A_469], %swap3A_472 {strides = array<i32>} : memref<40x64xf32, #tpu.memory_space<vmem>>, vector<1x64xf32>,
    %get3A_473 = arith.index_cast %add3A : i32 to index
    %get3A_474 = arith.constant 33 : index
    %get3A_475 = memref.load %arg2[%get3A_473, %get3A_474] : memref<64x128xi32, #tpu.memory_space<smem>>
    %get3A_476 = arith.constant 0 : index
    %get3A_477 = arith.constant 0 : index
    %get3A_478 = arith.index_cast %get3A_475 : i32 to index
    %get3A_479 = arith.constant 0 : index
    %get3A_480 = vector.load %arg3[%get3A_476, %get3A_477, %get3A_478, %get3A_479] : memref<1x1x2048x64xf32, #tpu.memory_space<vmem>>, vector<1x1x1x64xf32>
    %get3A_481 = vector.shape_cast %get3A_480 : vector<1x1x1x64xf32> to vector<64xf32>
    %swap3A_482 = arith.constant 33 : index
    %swap3A_483 = arith.constant 0 : index
    %swap3A_484 = vector.load %arg7[%swap3A_482, %swap3A_483] : memref<40x64xf32, #tpu.memory_space<vmem>>, vector<1x64xf32>
    %swap3A_485 = vector.shape_cast %swap3A_484 : vector<1x64xf32> to vector<64xf32>
    %swap3A_486 = vector.shape_cast %get3A_481 : vector<64xf32> to vector<1x64xf32>
    tpu.vector_store %arg7[%swap3A_482, %swap3A_483], %swap3A_486 {strides = array<i32>} : memref<40x64xf32, #tpu.memory_space<vmem>>, vector<1x64xf32>,
    %get3A_487 = arith.index_cast %add3A : i32 to index
    %get3A_488 = arith.constant 34 : index
    %get3A_489 = memref.load %arg2[%get3A_487, %get3A_488] : memref<64x128xi32, #tpu.memory_space<smem>>
    %get3A_490 = arith.constant 0 : index
    %get3A_491 = arith.constant 0 : index
    %get3A_492 = arith.index_cast %get3A_489 : i32 to index
    %get3A_493 = arith.constant 0 : index
    %get3A_494 = vector.load %arg3[%get3A_490, %get3A_491, %get3A_492, %get3A_493] : memref<1x1x2048x64xf32, #tpu.memory_space<vmem>>, vector<1x1x1x64xf32>
    %get3A_495 = vector.shape_cast %get3A_494 : vector<1x1x1x64xf32> to vector<64xf32>
    %swap3A_496 = arith.constant 34 : index
    %swap3A_497 = arith.constant 0 : index
    %swap3A_498 = vector.load %arg7[%swap3A_496, %swap3A_497] : memref<40x64xf32, #tpu.memory_space<vmem>>, vector<1x64xf32>
    %swap3A_499 = vector.shape_cast %swap3A_498 : vector<1x64xf32> to vector<64xf32>
    %swap3A_500 = vector.shape_cast %get3A_495 : vector<64xf32> to vector<1x64xf32>
    tpu.vector_store %arg7[%swap3A_496, %swap3A_497], %swap3A_500 {strides = array<i32>} : memref<40x64xf32, #tpu.memory_space<vmem>>, vector<1x64xf32>,
    %get3A_501 = arith.index_cast %add3A : i32 to index
    %get3A_502 = arith.constant 35 : index
    %get3A_503 = memref.load %arg2[%get3A_501, %get3A_502] : memref<64x128xi32, #tpu.memory_space<smem>>
    %get3A_504 = arith.constant 0 : index
    %get3A_505 = arith.constant 0 : index
    %get3A_506 = arith.index_cast %get3A_503 : i32 to index
    %get3A_507 = arith.constant 0 : index
    %get3A_508 = vector.load %arg3[%get3A_504, %get3A_505, %get3A_506, %get3A_507] : memref<1x1x2048x64xf32, #tpu.memory_space<vmem>>, vector<1x1x1x64xf32>
    %get3A_509 = vector.shape_cast %get3A_508 : vector<1x1x1x64xf32> to vector<64xf32>
    %swap3A_510 = arith.constant 35 : index
    %swap3A_511 = arith.constant 0 : index
    %swap3A_512 = vector.load %arg7[%swap3A_510, %swap3A_511] : memref<40x64xf32, #tpu.memory_space<vmem>>, vector<1x64xf32>
    %swap3A_513 = vector.shape_cast %swap3A_512 : vector<1x64xf32> to vector<64xf32>
    %swap3A_514 = vector.shape_cast %get3A_509 : vector<64xf32> to vector<1x64xf32>
    tpu.vector_store %arg7[%swap3A_510, %swap3A_511], %swap3A_514 {strides = array<i32>} : memref<40x64xf32, #tpu.memory_space<vmem>>, vector<1x64xf32>,
    %get3A_515 = arith.index_cast %add3A : i32 to index
    %get3A_516 = arith.constant 36 : index
    %get3A_517 = memref.load %arg2[%get3A_515, %get3A_516] : memref<64x128xi32, #tpu.memory_space<smem>>
    %get3A_518 = arith.constant 0 : index
    %get3A_519 = arith.constant 0 : index
    %get3A_520 = arith.index_cast %get3A_517 : i32 to index
    %get3A_521 = arith.constant 0 : index
    %get3A_522 = vector.load %arg3[%get3A_518, %get3A_519, %get3A_520, %get3A_521] : memref<1x1x2048x64xf32, #tpu.memory_space<vmem>>, vector<1x1x1x64xf32>
    %get3A_523 = vector.shape_cast %get3A_522 : vector<1x1x1x64xf32> to vector<64xf32>
    %swap3A_524 = arith.constant 36 : index
    %swap3A_525 = arith.constant 0 : index
    %swap3A_526 = vector.load %arg7[%swap3A_524, %swap3A_525] : memref<40x64xf32, #tpu.memory_space<vmem>>, vector<1x64xf32>
    %swap3A_527 = vector.shape_cast %swap3A_526 : vector<1x64xf32> to vector<64xf32>
    %swap3A_528 = vector.shape_cast %get3A_523 : vector<64xf32> to vector<1x64xf32>
    tpu.vector_store %arg7[%swap3A_524, %swap3A_525], %swap3A_528 {strides = array<i32>} : memref<40x64xf32, #tpu.memory_space<vmem>>, vector<1x64xf32>,
    %get3A_529 = arith.index_cast %add3A : i32 to index
    %get3A_530 = arith.constant 37 : index
    %get3A_531 = memref.load %arg2[%get3A_529, %get3A_530] : memref<64x128xi32, #tpu.memory_space<smem>>
    %get3A_532 = arith.constant 0 : index
    %get3A_533 = arith.constant 0 : index
    %get3A_534 = arith.index_cast %get3A_531 : i32 to index
    %get3A_535 = arith.constant 0 : index
    %get3A_536 = vector.load %arg3[%get3A_532, %get3A_533, %get3A_534, %get3A_535] : memref<1x1x2048x64xf32, #tpu.memory_space<vmem>>, vector<1x1x1x64xf32>
    %get3A_537 = vector.shape_cast %get3A_536 : vector<1x1x1x64xf32> to vector<64xf32>
    %swap3A_538 = arith.constant 37 : index
    %swap3A_539 = arith.constant 0 : index
    %swap3A_540 = vector.load %arg7[%swap3A_538, %swap3A_539] : memref<40x64xf32, #tpu.memory_space<vmem>>, vector<1x64xf32>
    %swap3A_541 = vector.shape_cast %swap3A_540 : vector<1x64xf32> to vector<64xf32>
    %swap3A_542 = vector.shape_cast %get3A_537 : vector<64xf32> to vector<1x64xf32>
    tpu.vector_store %arg7[%swap3A_538, %swap3A_539], %swap3A_542 {strides = array<i32>} : memref<40x64xf32, #tpu.memory_space<vmem>>, vector<1x64xf32>,
    %get3A_543 = arith.index_cast %add3A : i32 to index
    %get3A_544 = arith.constant 38 : index
    %get3A_545 = memref.load %arg2[%get3A_543, %get3A_544] : memref<64x128xi32, #tpu.memory_space<smem>>
    %get3A_546 = arith.constant 0 : index
    %get3A_547 = arith.constant 0 : index
    %get3A_548 = arith.index_cast %get3A_545 : i32 to index
    %get3A_549 = arith.constant 0 : index
    %get3A_550 = vector.load %arg3[%get3A_546, %get3A_547, %get3A_548, %get3A_549] : memref<1x1x2048x64xf32, #tpu.memory_space<vmem>>, vector<1x1x1x64xf32>
    %get3A_551 = vector.shape_cast %get3A_550 : vector<1x1x1x64xf32> to vector<64xf32>
    %swap3A_552 = arith.constant 38 : index
    %swap3A_553 = arith.constant 0 : index
    %swap3A_554 = vector.load %arg7[%swap3A_552, %swap3A_553] : memref<40x64xf32, #tpu.memory_space<vmem>>, vector<1x64xf32>
    %swap3A_555 = vector.shape_cast %swap3A_554 : vector<1x64xf32> to vector<64xf32>
    %swap3A_556 = vector.shape_cast %get3A_551 : vector<64xf32> to vector<1x64xf32>
    tpu.vector_store %arg7[%swap3A_552, %swap3A_553], %swap3A_556 {strides = array<i32>} : memref<40x64xf32, #tpu.memory_space<vmem>>, vector<1x64xf32>,
    %get3A_557 = arith.index_cast %add3A : i32 to index
    %get3A_558 = arith.constant 39 : index
    %get3A_559 = memref.load %arg2[%get3A_557, %get3A_558] : memref<64x128xi32, #tpu.memory_space<smem>>
    %get3A_560 = arith.constant 0 : index
    %get3A_561 = arith.constant 0 : index
    %get3A_562 = arith.index_cast %get3A_559 : i32 to index
    %get3A_563 = arith.constant 0 : index
    %get3A_564 = vector.load %arg3[%get3A_560, %get3A_561, %get3A_562, %get3A_563] : memref<1x1x2048x64xf32, #tpu.memory_space<vmem>>, vector<1x1x1x64xf32>
    %get3A_565 = vector.shape_cast %get3A_564 : vector<1x1x1x64xf32> to vector<64xf32>
    %swap3A_566 = arith.constant 39 : index
    %swap3A_567 = arith.constant 0 : index
    %swap3A_568 = vector.load %arg7[%swap3A_566, %swap3A_567] : memref<40x64xf32, #tpu.memory_space<vmem>>, vector<1x64xf32>
    %swap3A_569 = vector.shape_cast %swap3A_568 : vector<1x64xf32> to vector<64xf32>
    %swap3A_570 = vector.shape_cast %get3A_565 : vector<64xf32> to vector<1x64xf32>
    tpu.vector_store %arg7[%swap3A_566, %swap3A_567], %swap3A_570 {strides = array<i32>} : memref<40x64xf32, #tpu.memory_space<vmem>>, vector<1x64xf32>,
    %get3A_571 = arith.constant 0 : index
    %get3A_572 = arith.constant 0 : index
    %get3A_573 = vector.load %arg7[%get3A_571, %get3A_572] : memref<40x64xf32, #tpu.memory_space<vmem>>, vector<40x64xf32>
    %convert_element_type3A = arith.truncf %get3A_573 : vector<40x64xf32> to vector<40x64xbf16>
    %convert_element_type3A_574 = arith.truncf %get3A_5 : vector<2048x64xf32> to vector<2048x64xbf16>
    %dot_general3A = arith.constant dense<0.000000e+00> : vector<40x2048xf32>
    %dot_general3A_575 = tpu.matmul %convert_element_type3A, %convert_element_type3A_574, %dot_general3A {dimension_numbers = #tpu.dot_dimension_numbers<[1], [1], [0], [0], [0, 0, 1, 0], [], []>, transpose_lhs_hint = false} : vector<40x64xbf16>, vector<2048x64xbf16>, vector<40x2048xf32> -> vector<40x2048xf32>
    %mul3A_576 = arith.constant 1.250000e-01 : f32
    %mul3A_577 = vector.broadcast %mul3A_576 : f32 to vector<40x2048xf32>
    %mul3A_578 = arith.mulf %dot_general3A_575, %mul3A_577 : vector<40x2048xf32>
    %reduce_max3A = arith.constant dense<0xFF800000> : vector<40xf32>
    %reduce_max3A_579 = vector.multi_reduction <maximumf>, %mul3A_578, %reduce_max3A [1] : vector<40x2048xf32> to vector<40xf32>
    %broadcast_in_dim3A = vector.shape_cast %reduce_max3A_579 : vector<40xf32> to vector<40x1xf32>
    %sub3A = vector.broadcast %broadcast_in_dim3A : vector<40x1xf32> to vector<40x2048xf32>
    %sub3A_580 = arith.subf %mul3A_578, %sub3A : vector<40x2048xf32>
    %exp3A = math.exp %sub3A_580 : vector<40x2048xf32>
    %reduce_sum3A = arith.constant dense<0.000000e+00> : vector<40xf32>
    %reduce_sum3A_581 = vector.multi_reduction <add>, %exp3A, %reduce_sum3A [1] : vector<40x2048xf32> to vector<40xf32>
    %broadcast_in_dim3A_582 = vector.shape_cast %reduce_sum3A_581 : vector<40xf32> to vector<40x1xf32>
    %div3A = vector.broadcast %broadcast_in_dim3A_582 : vector<40x1xf32> to vector<40x2048xf32>
    %div3A_583 = arith.divf %exp3A, %div3A : vector<40x2048xf32>
    %convert_element_type3A_584 = arith.truncf %div3A_583 : vector<40x2048xf32> to vector<40x2048xbf16>
    %convert_element_type3A_585 = arith.truncf %get3A_11 : vector<2048x64xf32> to vector<2048x64xbf16>
    %dot_general3A_586 = arith.constant dense<0.000000e+00> : vector<40x64xf32>
    %dot_general3A_587 = tpu.matmul %convert_element_type3A_584, %convert_element_type3A_585, %dot_general3A_586 {dimension_numbers = #tpu.dot_dimension_numbers<[1], [0], [0], [1], [0, 0, 1, 1], [], []>, transpose_lhs_hint = false} : vector<40x2048xbf16>, vector<2048x64xbf16>, vector<40x64xf32> -> vector<40x64xf32>
    %reduce_sum3A_588 = arith.constant dense<0.000000e+00> : vector<64xf32>
    %reduce_sum3A_589 = vector.multi_reduction <add>, %get3A_11, %reduce_sum3A_588 [0] : vector<2048x64xf32> to vector<64xf32>
    %broadcast_in_dim3A_590 = vector.shape_cast %reduce_sum3A_589 : vector<64xf32> to vector<1x64xf32>
    %div3A_591 = arith.constant 2.048000e+03 : f32
    %div3A_592 = vector.broadcast %div3A_591 : f32 to vector<1x64xf32>
    %div3A_593 = arith.divf %broadcast_in_dim3A_590, %div3A_592 : vector<1x64xf32>
    %broadcast_in_dim3A_594 = vector.shape_cast %div3A_593 : vector<1x64xf32> to vector<1x64xf32>
    %broadcast_in_dim3A_595 = vector.broadcast %broadcast_in_dim3A_594 : vector<1x64xf32> to vector<2048x64xf32>
    %swap3A_596 = arith.constant 0 : index
    %swap3A_597 = arith.constant 0 : index
    %swap3A_598 = arith.constant 0 : index
    %swap3A_599 = arith.constant 0 : index
    %swap3A_600 = vector.load %arg6[%swap3A_596, %swap3A_597, %swap3A_598, %swap3A_599] : memref<1x1x2048x64xf32, #tpu.memory_space<vmem>>, vector<1x1x2048x64xf32>
    %swap3A_601 = vector.shape_cast %swap3A_600 : vector<1x1x2048x64xf32> to vector<2048x64xf32>
    %swap3A_602 = vector.shape_cast %broadcast_in_dim3A_595 : vector<2048x64xf32> to vector<1x1x2048x64xf32>
    tpu.vector_store %arg6[%swap3A_596, %swap3A_597, %swap3A_598, %swap3A_599], %swap3A_602 {strides = array<i32>} : memref<1x1x2048x64xf32, #tpu.memory_space<vmem>>, vector<1x1x2048x64xf32>,
    %slice3A = vector.extract_strided_slice %dot_general3A_587 {offsets = [0, 0], sizes = [1, 64], strides = [1, 1]} : vector<40x64xf32> to vector<1x64xf32>
    %get3A_603 = arith.index_cast %add3A : i32 to index
    %get3A_604 = arith.constant 0 : index
    %get3A_605 = memref.load %arg2[%get3A_603, %get3A_604] : memref<64x128xi32, #tpu.memory_space<smem>>
    %swap3A_606 = arith.constant 0 : index
    %swap3A_607 = arith.constant 0 : index
    %swap3A_608 = arith.index_cast %get3A_605 : i32 to index
    %swap3A_609 = arith.constant 0 : index
    %swap3A_610 = vector.load %arg6[%swap3A_606, %swap3A_607, %swap3A_608, %swap3A_609] : memref<1x1x2048x64xf32, #tpu.memory_space<vmem>>, vector<1x1x1x64xf32>
    %swap3A_611 = vector.shape_cast %swap3A_610 : vector<1x1x1x64xf32> to vector<1x64xf32>
    %swap3A_612 = vector.shape_cast %slice3A : vector<1x64xf32> to vector<1x1x1x64xf32>
    tpu.vector_store %arg6[%swap3A_606, %swap3A_607, %swap3A_608, %swap3A_609], %swap3A_612 {strides = array<i32>} : memref<1x1x2048x64xf32, #tpu.memory_space<vmem>>, vector<1x1x1x64xf32>,
    %slice3A_613 = vector.extract_strided_slice %dot_general3A_587 {offsets = [1, 0], sizes = [1, 64], strides = [1, 1]} : vector<40x64xf32> to vector<1x64xf32>
    %get3A_614 = arith.index_cast %add3A : i32 to index
    %get3A_615 = arith.constant 1 : index
    %get3A_616 = memref.load %arg2[%get3A_614, %get3A_615] : memref<64x128xi32, #tpu.memory_space<smem>>
    %swap3A_617 = arith.constant 0 : index
    %swap3A_618 = arith.constant 0 : index
    %swap3A_619 = arith.index_cast %get3A_616 : i32 to index
    %swap3A_620 = arith.constant 0 : index
    %swap3A_621 = vector.load %arg6[%swap3A_617, %swap3A_618, %swap3A_619, %swap3A_620] : memref<1x1x2048x64xf32, #tpu.memory_space<vmem>>, vector<1x1x1x64xf32>
    %swap3A_622 = vector.shape_cast %swap3A_621 : vector<1x1x1x64xf32> to vector<1x64xf32>
    %swap3A_623 = vector.shape_cast %slice3A_613 : vector<1x64xf32> to vector<1x1x1x64xf32>
    tpu.vector_store %arg6[%swap3A_617, %swap3A_618, %swap3A_619, %swap3A_620], %swap3A_623 {strides = array<i32>} : memref<1x1x2048x64xf32, #tpu.memory_space<vmem>>, vector<1x1x1x64xf32>,
    %slice3A_624 = vector.extract_strided_slice %dot_general3A_587 {offsets = [2, 0], sizes = [1, 64], strides = [1, 1]} : vector<40x64xf32> to vector<1x64xf32>
    %get3A_625 = arith.index_cast %add3A : i32 to index
    %get3A_626 = arith.constant 2 : index
    %get3A_627 = memref.load %arg2[%get3A_625, %get3A_626] : memref<64x128xi32, #tpu.memory_space<smem>>
    %swap3A_628 = arith.constant 0 : index
    %swap3A_629 = arith.constant 0 : index
    %swap3A_630 = arith.index_cast %get3A_627 : i32 to index
    %swap3A_631 = arith.constant 0 : index
    %swap3A_632 = vector.load %arg6[%swap3A_628, %swap3A_629, %swap3A_630, %swap3A_631] : memref<1x1x2048x64xf32, #tpu.memory_space<vmem>>, vector<1x1x1x64xf32>
    %swap3A_633 = vector.shape_cast %swap3A_632 : vector<1x1x1x64xf32> to vector<1x64xf32>
    %swap3A_634 = vector.shape_cast %slice3A_624 : vector<1x64xf32> to vector<1x1x1x64xf32>
    tpu.vector_store %arg6[%swap3A_628, %swap3A_629, %swap3A_630, %swap3A_631], %swap3A_634 {strides = array<i32>} : memref<1x1x2048x64xf32, #tpu.memory_space<vmem>>, vector<1x1x1x64xf32>,
    %slice3A_635 = vector.extract_strided_slice %dot_general3A_587 {offsets = [3, 0], sizes = [1, 64], strides = [1, 1]} : vector<40x64xf32> to vector<1x64xf32>
    %get3A_636 = arith.index_cast %add3A : i32 to index
    %get3A_637 = arith.constant 3 : index
    %get3A_638 = memref.load %arg2[%get3A_636, %get3A_637] : memref<64x128xi32, #tpu.memory_space<smem>>
    %swap3A_639 = arith.constant 0 : index
    %swap3A_640 = arith.constant 0 : index
    %swap3A_641 = arith.index_cast %get3A_638 : i32 to index
    %swap3A_642 = arith.constant 0 : index
    %swap3A_643 = vector.load %arg6[%swap3A_639, %swap3A_640, %swap3A_641, %swap3A_642] : memref<1x1x2048x64xf32, #tpu.memory_space<vmem>>, vector<1x1x1x64xf32>
    %swap3A_644 = vector.shape_cast %swap3A_643 : vector<1x1x1x64xf32> to vector<1x64xf32>
    %swap3A_645 = vector.shape_cast %slice3A_635 : vector<1x64xf32> to vector<1x1x1x64xf32>
    tpu.vector_store %arg6[%swap3A_639, %swap3A_640, %swap3A_641, %swap3A_642], %swap3A_645 {strides = array<i32>} : memref<1x1x2048x64xf32, #tpu.memory_space<vmem>>, vector<1x1x1x64xf32>,
    %slice3A_646 = vector.extract_strided_slice %dot_general3A_587 {offsets = [4, 0], sizes = [1, 64], strides = [1, 1]} : vector<40x64xf32> to vector<1x64xf32>
    %get3A_647 = arith.index_cast %add3A : i32 to index
    %get3A_648 = arith.constant 4 : index
    %get3A_649 = memref.load %arg2[%get3A_647, %get3A_648] : memref<64x128xi32, #tpu.memory_space<smem>>
    %swap3A_650 = arith.constant 0 : index
    %swap3A_651 = arith.constant 0 : index
    %swap3A_652 = arith.index_cast %get3A_649 : i32 to index
    %swap3A_653 = arith.constant 0 : index
    %swap3A_654 = vector.load %arg6[%swap3A_650, %swap3A_651, %swap3A_652, %swap3A_653] : memref<1x1x2048x64xf32, #tpu.memory_space<vmem>>, vector<1x1x1x64xf32>
    %swap3A_655 = vector.shape_cast %swap3A_654 : vector<1x1x1x64xf32> to vector<1x64xf32>
    %swap3A_656 = vector.shape_cast %slice3A_646 : vector<1x64xf32> to vector<1x1x1x64xf32>
    tpu.vector_store %arg6[%swap3A_650, %swap3A_651, %swap3A_652, %swap3A_653], %swap3A_656 {strides = array<i32>} : memref<1x1x2048x64xf32, #tpu.memory_space<vmem>>, vector<1x1x1x64xf32>,
    %slice3A_657 = vector.extract_strided_slice %dot_general3A_587 {offsets = [5, 0], sizes = [1, 64], strides = [1, 1]} : vector<40x64xf32> to vector<1x64xf32>
    %get3A_658 = arith.index_cast %add3A : i32 to index
    %get3A_659 = arith.constant 5 : index
    %get3A_660 = memref.load %arg2[%get3A_658, %get3A_659] : memref<64x128xi32, #tpu.memory_space<smem>>
    %swap3A_661 = arith.constant 0 : index
    %swap3A_662 = arith.constant 0 : index
    %swap3A_663 = arith.index_cast %get3A_660 : i32 to index
    %swap3A_664 = arith.constant 0 : index
    %swap3A_665 = vector.load %arg6[%swap3A_661, %swap3A_662, %swap3A_663, %swap3A_664] : memref<1x1x2048x64xf32, #tpu.memory_space<vmem>>, vector<1x1x1x64xf32>
    %swap3A_666 = vector.shape_cast %swap3A_665 : vector<1x1x1x64xf32> to vector<1x64xf32>
    %swap3A_667 = vector.shape_cast %slice3A_657 : vector<1x64xf32> to vector<1x1x1x64xf32>
    tpu.vector_store %arg6[%swap3A_661, %swap3A_662, %swap3A_663, %swap3A_664], %swap3A_667 {strides = array<i32>} : memref<1x1x2048x64xf32, #tpu.memory_space<vmem>>, vector<1x1x1x64xf32>,
    %slice3A_668 = vector.extract_strided_slice %dot_general3A_587 {offsets = [6, 0], sizes = [1, 64], strides = [1, 1]} : vector<40x64xf32> to vector<1x64xf32>
    %get3A_669 = arith.index_cast %add3A : i32 to index
    %get3A_670 = arith.constant 6 : index
    %get3A_671 = memref.load %arg2[%get3A_669, %get3A_670] : memref<64x128xi32, #tpu.memory_space<smem>>
    %swap3A_672 = arith.constant 0 : index
    %swap3A_673 = arith.constant 0 : index
    %swap3A_674 = arith.index_cast %get3A_671 : i32 to index
    %swap3A_675 = arith.constant 0 : index
    %swap3A_676 = vector.load %arg6[%swap3A_672, %swap3A_673, %swap3A_674, %swap3A_675] : memref<1x1x2048x64xf32, #tpu.memory_space<vmem>>, vector<1x1x1x64xf32>
    %swap3A_677 = vector.shape_cast %swap3A_676 : vector<1x1x1x64xf32> to vector<1x64xf32>
    %swap3A_678 = vector.shape_cast %slice3A_668 : vector<1x64xf32> to vector<1x1x1x64xf32>
    tpu.vector_store %arg6[%swap3A_672, %swap3A_673, %swap3A_674, %swap3A_675], %swap3A_678 {strides = array<i32>} : memref<1x1x2048x64xf32, #tpu.memory_space<vmem>>, vector<1x1x1x64xf32>,
    %slice3A_679 = vector.extract_strided_slice %dot_general3A_587 {offsets = [7, 0], sizes = [1, 64], strides = [1, 1]} : vector<40x64xf32> to vector<1x64xf32>
    %get3A_680 = arith.index_cast %add3A : i32 to index
    %get3A_681 = arith.constant 7 : index
    %get3A_682 = memref.load %arg2[%get3A_680, %get3A_681] : memref<64x128xi32, #tpu.memory_space<smem>>
    %swap3A_683 = arith.constant 0 : index
    %swap3A_684 = arith.constant 0 : index
    %swap3A_685 = arith.index_cast %get3A_682 : i32 to index
    %swap3A_686 = arith.constant 0 : index
    %swap3A_687 = vector.load %arg6[%swap3A_683, %swap3A_684, %swap3A_685, %swap3A_686] : memref<1x1x2048x64xf32, #tpu.memory_space<vmem>>, vector<1x1x1x64xf32>
    %swap3A_688 = vector.shape_cast %swap3A_687 : vector<1x1x1x64xf32> to vector<1x64xf32>
    %swap3A_689 = vector.shape_cast %slice3A_679 : vector<1x64xf32> to vector<1x1x1x64xf32>
    tpu.vector_store %arg6[%swap3A_683, %swap3A_684, %swap3A_685, %swap3A_686], %swap3A_689 {strides = array<i32>} : memref<1x1x2048x64xf32, #tpu.memory_space<vmem>>, vector<1x1x1x64xf32>,
    %slice3A_690 = vector.extract_strided_slice %dot_general3A_587 {offsets = [8, 0], sizes = [1, 64], strides = [1, 1]} : vector<40x64xf32> to vector<1x64xf32>
    %get3A_691 = arith.index_cast %add3A : i32 to index
    %get3A_692 = arith.constant 8 : index
    %get3A_693 = memref.load %arg2[%get3A_691, %get3A_692] : memref<64x128xi32, #tpu.memory_space<smem>>
    %swap3A_694 = arith.constant 0 : index
    %swap3A_695 = arith.constant 0 : index
    %swap3A_696 = arith.index_cast %get3A_693 : i32 to index
    %swap3A_697 = arith.constant 0 : index
    %swap3A_698 = vector.load %arg6[%swap3A_694, %swap3A_695, %swap3A_696, %swap3A_697] : memref<1x1x2048x64xf32, #tpu.memory_space<vmem>>, vector<1x1x1x64xf32>
    %swap3A_699 = vector.shape_cast %swap3A_698 : vector<1x1x1x64xf32> to vector<1x64xf32>
    %swap3A_700 = vector.shape_cast %slice3A_690 : vector<1x64xf32> to vector<1x1x1x64xf32>
    tpu.vector_store %arg6[%swap3A_694, %swap3A_695, %swap3A_696, %swap3A_697], %swap3A_700 {strides = array<i32>} : memref<1x1x2048x64xf32, #tpu.memory_space<vmem>>, vector<1x1x1x64xf32>,
    %slice3A_701 = vector.extract_strided_slice %dot_general3A_587 {offsets = [9, 0], sizes = [1, 64], strides = [1, 1]} : vector<40x64xf32> to vector<1x64xf32>
    %get3A_702 = arith.index_cast %add3A : i32 to index
    %get3A_703 = arith.constant 9 : index
    %get3A_704 = memref.load %arg2[%get3A_702, %get3A_703] : memref<64x128xi32, #tpu.memory_space<smem>>
    %swap3A_705 = arith.constant 0 : index
    %swap3A_706 = arith.constant 0 : index
    %swap3A_707 = arith.index_cast %get3A_704 : i32 to index
    %swap3A_708 = arith.constant 0 : index
    %swap3A_709 = vector.load %arg6[%swap3A_705, %swap3A_706, %swap3A_707, %swap3A_708] : memref<1x1x2048x64xf32, #tpu.memory_space<vmem>>, vector<1x1x1x64xf32>
    %swap3A_710 = vector.shape_cast %swap3A_709 : vector<1x1x1x64xf32> to vector<1x64xf32>
    %swap3A_711 = vector.shape_cast %slice3A_701 : vector<1x64xf32> to vector<1x1x1x64xf32>
    tpu.vector_store %arg6[%swap3A_705, %swap3A_706, %swap3A_707, %swap3A_708], %swap3A_711 {strides = array<i32>} : memref<1x1x2048x64xf32, #tpu.memory_space<vmem>>, vector<1x1x1x64xf32>,
    %slice3A_712 = vector.extract_strided_slice %dot_general3A_587 {offsets = [10, 0], sizes = [1, 64], strides = [1, 1]} : vector<40x64xf32> to vector<1x64xf32>
    %get3A_713 = arith.index_cast %add3A : i32 to index
    %get3A_714 = arith.constant 10 : index
    %get3A_715 = memref.load %arg2[%get3A_713, %get3A_714] : memref<64x128xi32, #tpu.memory_space<smem>>
    %swap3A_716 = arith.constant 0 : index
    %swap3A_717 = arith.constant 0 : index
    %swap3A_718 = arith.index_cast %get3A_715 : i32 to index
    %swap3A_719 = arith.constant 0 : index
    %swap3A_720 = vector.load %arg6[%swap3A_716, %swap3A_717, %swap3A_718, %swap3A_719] : memref<1x1x2048x64xf32, #tpu.memory_space<vmem>>, vector<1x1x1x64xf32>
    %swap3A_721 = vector.shape_cast %swap3A_720 : vector<1x1x1x64xf32> to vector<1x64xf32>
    %swap3A_722 = vector.shape_cast %slice3A_712 : vector<1x64xf32> to vector<1x1x1x64xf32>
    tpu.vector_store %arg6[%swap3A_716, %swap3A_717, %swap3A_718, %swap3A_719], %swap3A_722 {strides = array<i32>} : memref<1x1x2048x64xf32, #tpu.memory_space<vmem>>, vector<1x1x1x64xf32>,
    %slice3A_723 = vector.extract_strided_slice %dot_general3A_587 {offsets = [11, 0], sizes = [1, 64], strides = [1, 1]} : vector<40x64xf32> to vector<1x64xf32>
    %get3A_724 = arith.index_cast %add3A : i32 to index
    %get3A_725 = arith.constant 11 : index
    %get3A_726 = memref.load %arg2[%get3A_724, %get3A_725] : memref<64x128xi32, #tpu.memory_space<smem>>
    %swap3A_727 = arith.constant 0 : index
    %swap3A_728 = arith.constant 0 : index
    %swap3A_729 = arith.index_cast %get3A_726 : i32 to index
    %swap3A_730 = arith.constant 0 : index
    %swap3A_731 = vector.load %arg6[%swap3A_727, %swap3A_728, %swap3A_729, %swap3A_730] : memref<1x1x2048x64xf32, #tpu.memory_space<vmem>>, vector<1x1x1x64xf32>
    %swap3A_732 = vector.shape_cast %swap3A_731 : vector<1x1x1x64xf32> to vector<1x64xf32>
    %swap3A_733 = vector.shape_cast %slice3A_723 : vector<1x64xf32> to vector<1x1x1x64xf32>
    tpu.vector_store %arg6[%swap3A_727, %swap3A_728, %swap3A_729, %swap3A_730], %swap3A_733 {strides = array<i32>} : memref<1x1x2048x64xf32, #tpu.memory_space<vmem>>, vector<1x1x1x64xf32>,
    %slice3A_734 = vector.extract_strided_slice %dot_general3A_587 {offsets = [12, 0], sizes = [1, 64], strides = [1, 1]} : vector<40x64xf32> to vector<1x64xf32>
    %get3A_735 = arith.index_cast %add3A : i32 to index
    %get3A_736 = arith.constant 12 : index
    %get3A_737 = memref.load %arg2[%get3A_735, %get3A_736] : memref<64x128xi32, #tpu.memory_space<smem>>
    %swap3A_738 = arith.constant 0 : index
    %swap3A_739 = arith.constant 0 : index
    %swap3A_740 = arith.index_cast %get3A_737 : i32 to index
    %swap3A_741 = arith.constant 0 : index
    %swap3A_742 = vector.load %arg6[%swap3A_738, %swap3A_739, %swap3A_740, %swap3A_741] : memref<1x1x2048x64xf32, #tpu.memory_space<vmem>>, vector<1x1x1x64xf32>
    %swap3A_743 = vector.shape_cast %swap3A_742 : vector<1x1x1x64xf32> to vector<1x64xf32>
    %swap3A_744 = vector.shape_cast %slice3A_734 : vector<1x64xf32> to vector<1x1x1x64xf32>
    tpu.vector_store %arg6[%swap3A_738, %swap3A_739, %swap3A_740, %swap3A_741], %swap3A_744 {strides = array<i32>} : memref<1x1x2048x64xf32, #tpu.memory_space<vmem>>, vector<1x1x1x64xf32>,
    %slice3A_745 = vector.extract_strided_slice %dot_general3A_587 {offsets = [13, 0], sizes = [1, 64], strides = [1, 1]} : vector<40x64xf32> to vector<1x64xf32>
    %get3A_746 = arith.index_cast %add3A : i32 to index
    %get3A_747 = arith.constant 13 : index
    %get3A_748 = memref.load %arg2[%get3A_746, %get3A_747] : memref<64x128xi32, #tpu.memory_space<smem>>
    %swap3A_749 = arith.constant 0 : index
    %swap3A_750 = arith.constant 0 : index
    %swap3A_751 = arith.index_cast %get3A_748 : i32 to index
    %swap3A_752 = arith.constant 0 : index
    %swap3A_753 = vector.load %arg6[%swap3A_749, %swap3A_750, %swap3A_751, %swap3A_752] : memref<1x1x2048x64xf32, #tpu.memory_space<vmem>>, vector<1x1x1x64xf32>
    %swap3A_754 = vector.shape_cast %swap3A_753 : vector<1x1x1x64xf32> to vector<1x64xf32>
    %swap3A_755 = vector.shape_cast %slice3A_745 : vector<1x64xf32> to vector<1x1x1x64xf32>
    tpu.vector_store %arg6[%swap3A_749, %swap3A_750, %swap3A_751, %swap3A_752], %swap3A_755 {strides = array<i32>} : memref<1x1x2048x64xf32, #tpu.memory_space<vmem>>, vector<1x1x1x64xf32>,
    %slice3A_756 = vector.extract_strided_slice %dot_general3A_587 {offsets = [14, 0], sizes = [1, 64], strides = [1, 1]} : vector<40x64xf32> to vector<1x64xf32>
    %get3A_757 = arith.index_cast %add3A : i32 to index
    %get3A_758 = arith.constant 14 : index
    %get3A_759 = memref.load %arg2[%get3A_757, %get3A_758] : memref<64x128xi32, #tpu.memory_space<smem>>
    %swap3A_760 = arith.constant 0 : index
    %swap3A_761 = arith.constant 0 : index
    %swap3A_762 = arith.index_cast %get3A_759 : i32 to index
    %swap3A_763 = arith.constant 0 : index
    %swap3A_764 = vector.load %arg6[%swap3A_760, %swap3A_761, %swap3A_762, %swap3A_763] : memref<1x1x2048x64xf32, #tpu.memory_space<vmem>>, vector<1x1x1x64xf32>
    %swap3A_765 = vector.shape_cast %swap3A_764 : vector<1x1x1x64xf32> to vector<1x64xf32>
    %swap3A_766 = vector.shape_cast %slice3A_756 : vector<1x64xf32> to vector<1x1x1x64xf32>
    tpu.vector_store %arg6[%swap3A_760, %swap3A_761, %swap3A_762, %swap3A_763], %swap3A_766 {strides = array<i32>} : memref<1x1x2048x64xf32, #tpu.memory_space<vmem>>, vector<1x1x1x64xf32>,
    %slice3A_767 = vector.extract_strided_slice %dot_general3A_587 {offsets = [15, 0], sizes = [1, 64], strides = [1, 1]} : vector<40x64xf32> to vector<1x64xf32>
    %get3A_768 = arith.index_cast %add3A : i32 to index
    %get3A_769 = arith.constant 15 : index
    %get3A_770 = memref.load %arg2[%get3A_768, %get3A_769] : memref<64x128xi32, #tpu.memory_space<smem>>
    %swap3A_771 = arith.constant 0 : index
    %swap3A_772 = arith.constant 0 : index
    %swap3A_773 = arith.index_cast %get3A_770 : i32 to index
    %swap3A_774 = arith.constant 0 : index
    %swap3A_775 = vector.load %arg6[%swap3A_771, %swap3A_772, %swap3A_773, %swap3A_774] : memref<1x1x2048x64xf32, #tpu.memory_space<vmem>>, vector<1x1x1x64xf32>
    %swap3A_776 = vector.shape_cast %swap3A_775 : vector<1x1x1x64xf32> to vector<1x64xf32>
    %swap3A_777 = vector.shape_cast %slice3A_767 : vector<1x64xf32> to vector<1x1x1x64xf32>
    tpu.vector_store %arg6[%swap3A_771, %swap3A_772, %swap3A_773, %swap3A_774], %swap3A_777 {strides = array<i32>} : memref<1x1x2048x64xf32, #tpu.memory_space<vmem>>, vector<1x1x1x64xf32>,
    %slice3A_778 = vector.extract_strided_slice %dot_general3A_587 {offsets = [16, 0], sizes = [1, 64], strides = [1, 1]} : vector<40x64xf32> to vector<1x64xf32>
    %get3A_779 = arith.index_cast %add3A : i32 to index
    %get3A_780 = arith.constant 16 : index
    %get3A_781 = memref.load %arg2[%get3A_779, %get3A_780] : memref<64x128xi32, #tpu.memory_space<smem>>
    %swap3A_782 = arith.constant 0 : index
    %swap3A_783 = arith.constant 0 : index
    %swap3A_784 = arith.index_cast %get3A_781 : i32 to index
    %swap3A_785 = arith.constant 0 : index
    %swap3A_786 = vector.load %arg6[%swap3A_782, %swap3A_783, %swap3A_784, %swap3A_785] : memref<1x1x2048x64xf32, #tpu.memory_space<vmem>>, vector<1x1x1x64xf32>
    %swap3A_787 = vector.shape_cast %swap3A_786 : vector<1x1x1x64xf32> to vector<1x64xf32>
    %swap3A_788 = vector.shape_cast %slice3A_778 : vector<1x64xf32> to vector<1x1x1x64xf32>
    tpu.vector_store %arg6[%swap3A_782, %swap3A_783, %swap3A_784, %swap3A_785], %swap3A_788 {strides = array<i32>} : memref<1x1x2048x64xf32, #tpu.memory_space<vmem>>, vector<1x1x1x64xf32>,
    %slice3A_789 = vector.extract_strided_slice %dot_general3A_587 {offsets = [17, 0], sizes = [1, 64], strides = [1, 1]} : vector<40x64xf32> to vector<1x64xf32>
    %get3A_790 = arith.index_cast %add3A : i32 to index
    %get3A_791 = arith.constant 17 : index
    %get3A_792 = memref.load %arg2[%get3A_790, %get3A_791] : memref<64x128xi32, #tpu.memory_space<smem>>
    %swap3A_793 = arith.constant 0 : index
    %swap3A_794 = arith.constant 0 : index
    %swap3A_795 = arith.index_cast %get3A_792 : i32 to index
    %swap3A_796 = arith.constant 0 : index
    %swap3A_797 = vector.load %arg6[%swap3A_793, %swap3A_794, %swap3A_795, %swap3A_796] : memref<1x1x2048x64xf32, #tpu.memory_space<vmem>>, vector<1x1x1x64xf32>
    %swap3A_798 = vector.shape_cast %swap3A_797 : vector<1x1x1x64xf32> to vector<1x64xf32>
    %swap3A_799 = vector.shape_cast %slice3A_789 : vector<1x64xf32> to vector<1x1x1x64xf32>
    tpu.vector_store %arg6[%swap3A_793, %swap3A_794, %swap3A_795, %swap3A_796], %swap3A_799 {strides = array<i32>} : memref<1x1x2048x64xf32, #tpu.memory_space<vmem>>, vector<1x1x1x64xf32>,
    %slice3A_800 = vector.extract_strided_slice %dot_general3A_587 {offsets = [18, 0], sizes = [1, 64], strides = [1, 1]} : vector<40x64xf32> to vector<1x64xf32>
    %get3A_801 = arith.index_cast %add3A : i32 to index
    %get3A_802 = arith.constant 18 : index
    %get3A_803 = memref.load %arg2[%get3A_801, %get3A_802] : memref<64x128xi32, #tpu.memory_space<smem>>
    %swap3A_804 = arith.constant 0 : index
    %swap3A_805 = arith.constant 0 : index
    %swap3A_806 = arith.index_cast %get3A_803 : i32 to index
    %swap3A_807 = arith.constant 0 : index
    %swap3A_808 = vector.load %arg6[%swap3A_804, %swap3A_805, %swap3A_806, %swap3A_807] : memref<1x1x2048x64xf32, #tpu.memory_space<vmem>>, vector<1x1x1x64xf32>
    %swap3A_809 = vector.shape_cast %swap3A_808 : vector<1x1x1x64xf32> to vector<1x64xf32>
    %swap3A_810 = vector.shape_cast %slice3A_800 : vector<1x64xf32> to vector<1x1x1x64xf32>
    tpu.vector_store %arg6[%swap3A_804, %swap3A_805, %swap3A_806, %swap3A_807], %swap3A_810 {strides = array<i32>} : memref<1x1x2048x64xf32, #tpu.memory_space<vmem>>, vector<1x1x1x64xf32>,
    %slice3A_811 = vector.extract_strided_slice %dot_general3A_587 {offsets = [19, 0], sizes = [1, 64], strides = [1, 1]} : vector<40x64xf32> to vector<1x64xf32>
    %get3A_812 = arith.index_cast %add3A : i32 to index
    %get3A_813 = arith.constant 19 : index
    %get3A_814 = memref.load %arg2[%get3A_812, %get3A_813] : memref<64x128xi32, #tpu.memory_space<smem>>
    %swap3A_815 = arith.constant 0 : index
    %swap3A_816 = arith.constant 0 : index
    %swap3A_817 = arith.index_cast %get3A_814 : i32 to index
    %swap3A_818 = arith.constant 0 : index
    %swap3A_819 = vector.load %arg6[%swap3A_815, %swap3A_816, %swap3A_817, %swap3A_818] : memref<1x1x2048x64xf32, #tpu.memory_space<vmem>>, vector<1x1x1x64xf32>
    %swap3A_820 = vector.shape_cast %swap3A_819 : vector<1x1x1x64xf32> to vector<1x64xf32>
    %swap3A_821 = vector.shape_cast %slice3A_811 : vector<1x64xf32> to vector<1x1x1x64xf32>
    tpu.vector_store %arg6[%swap3A_815, %swap3A_816, %swap3A_817, %swap3A_818], %swap3A_821 {strides = array<i32>} : memref<1x1x2048x64xf32, #tpu.memory_space<vmem>>, vector<1x1x1x64xf32>,
    %slice3A_822 = vector.extract_strided_slice %dot_general3A_587 {offsets = [20, 0], sizes = [1, 64], strides = [1, 1]} : vector<40x64xf32> to vector<1x64xf32>
    %get3A_823 = arith.index_cast %add3A : i32 to index
    %get3A_824 = arith.constant 20 : index
    %get3A_825 = memref.load %arg2[%get3A_823, %get3A_824] : memref<64x128xi32, #tpu.memory_space<smem>>
    %swap3A_826 = arith.constant 0 : index
    %swap3A_827 = arith.constant 0 : index
    %swap3A_828 = arith.index_cast %get3A_825 : i32 to index
    %swap3A_829 = arith.constant 0 : index
    %swap3A_830 = vector.load %arg6[%swap3A_826, %swap3A_827, %swap3A_828, %swap3A_829] : memref<1x1x2048x64xf32, #tpu.memory_space<vmem>>, vector<1x1x1x64xf32>
    %swap3A_831 = vector.shape_cast %swap3A_830 : vector<1x1x1x64xf32> to vector<1x64xf32>
    %swap3A_832 = vector.shape_cast %slice3A_822 : vector<1x64xf32> to vector<1x1x1x64xf32>
    tpu.vector_store %arg6[%swap3A_826, %swap3A_827, %swap3A_828, %swap3A_829], %swap3A_832 {strides = array<i32>} : memref<1x1x2048x64xf32, #tpu.memory_space<vmem>>, vector<1x1x1x64xf32>,
    %slice3A_833 = vector.extract_strided_slice %dot_general3A_587 {offsets = [21, 0], sizes = [1, 64], strides = [1, 1]} : vector<40x64xf32> to vector<1x64xf32>
    %get3A_834 = arith.index_cast %add3A : i32 to index
    %get3A_835 = arith.constant 21 : index
    %get3A_836 = memref.load %arg2[%get3A_834, %get3A_835] : memref<64x128xi32, #tpu.memory_space<smem>>
    %swap3A_837 = arith.constant 0 : index
    %swap3A_838 = arith.constant 0 : index
    %swap3A_839 = arith.index_cast %get3A_836 : i32 to index
    %swap3A_840 = arith.constant 0 : index
    %swap3A_841 = vector.load %arg6[%swap3A_837, %swap3A_838, %swap3A_839, %swap3A_840] : memref<1x1x2048x64xf32, #tpu.memory_space<vmem>>, vector<1x1x1x64xf32>
    %swap3A_842 = vector.shape_cast %swap3A_841 : vector<1x1x1x64xf32> to vector<1x64xf32>
    %swap3A_843 = vector.shape_cast %slice3A_833 : vector<1x64xf32> to vector<1x1x1x64xf32>
    tpu.vector_store %arg6[%swap3A_837, %swap3A_838, %swap3A_839, %swap3A_840], %swap3A_843 {strides = array<i32>} : memref<1x1x2048x64xf32, #tpu.memory_space<vmem>>, vector<1x1x1x64xf32>,
    %slice3A_844 = vector.extract_strided_slice %dot_general3A_587 {offsets = [22, 0], sizes = [1, 64], strides = [1, 1]} : vector<40x64xf32> to vector<1x64xf32>
    %get3A_845 = arith.index_cast %add3A : i32 to index
    %get3A_846 = arith.constant 22 : index
    %get3A_847 = memref.load %arg2[%get3A_845, %get3A_846] : memref<64x128xi32, #tpu.memory_space<smem>>
    %swap3A_848 = arith.constant 0 : index
    %swap3A_849 = arith.constant 0 : index
    %swap3A_850 = arith.index_cast %get3A_847 : i32 to index
    %swap3A_851 = arith.constant 0 : index
    %swap3A_852 = vector.load %arg6[%swap3A_848, %swap3A_849, %swap3A_850, %swap3A_851] : memref<1x1x2048x64xf32, #tpu.memory_space<vmem>>, vector<1x1x1x64xf32>
    %swap3A_853 = vector.shape_cast %swap3A_852 : vector<1x1x1x64xf32> to vector<1x64xf32>
    %swap3A_854 = vector.shape_cast %slice3A_844 : vector<1x64xf32> to vector<1x1x1x64xf32>
    tpu.vector_store %arg6[%swap3A_848, %swap3A_849, %swap3A_850, %swap3A_851], %swap3A_854 {strides = array<i32>} : memref<1x1x2048x64xf32, #tpu.memory_space<vmem>>, vector<1x1x1x64xf32>,
    %slice3A_855 = vector.extract_strided_slice %dot_general3A_587 {offsets = [23, 0], sizes = [1, 64], strides = [1, 1]} : vector<40x64xf32> to vector<1x64xf32>
    %get3A_856 = arith.index_cast %add3A : i32 to index
    %get3A_857 = arith.constant 23 : index
    %get3A_858 = memref.load %arg2[%get3A_856, %get3A_857] : memref<64x128xi32, #tpu.memory_space<smem>>
    %swap3A_859 = arith.constant 0 : index
    %swap3A_860 = arith.constant 0 : index
    %swap3A_861 = arith.index_cast %get3A_858 : i32 to index
    %swap3A_862 = arith.constant 0 : index
    %swap3A_863 = vector.load %arg6[%swap3A_859, %swap3A_860, %swap3A_861, %swap3A_862] : memref<1x1x2048x64xf32, #tpu.memory_space<vmem>>, vector<1x1x1x64xf32>
    %swap3A_864 = vector.shape_cast %swap3A_863 : vector<1x1x1x64xf32> to vector<1x64xf32>
    %swap3A_865 = vector.shape_cast %slice3A_855 : vector<1x64xf32> to vector<1x1x1x64xf32>
    tpu.vector_store %arg6[%swap3A_859, %swap3A_860, %swap3A_861, %swap3A_862], %swap3A_865 {strides = array<i32>} : memref<1x1x2048x64xf32, #tpu.memory_space<vmem>>, vector<1x1x1x64xf32>,
    %slice3A_866 = vector.extract_strided_slice %dot_general3A_587 {offsets = [24, 0], sizes = [1, 64], strides = [1, 1]} : vector<40x64xf32> to vector<1x64xf32>
    %get3A_867 = arith.index_cast %add3A : i32 to index
    %get3A_868 = arith.constant 24 : index
    %get3A_869 = memref.load %arg2[%get3A_867, %get3A_868] : memref<64x128xi32, #tpu.memory_space<smem>>
    %swap3A_870 = arith.constant 0 : index
    %swap3A_871 = arith.constant 0 : index
    %swap3A_872 = arith.index_cast %get3A_869 : i32 to index
    %swap3A_873 = arith.constant 0 : index
    %swap3A_874 = vector.load %arg6[%swap3A_870, %swap3A_871, %swap3A_872, %swap3A_873] : memref<1x1x2048x64xf32, #tpu.memory_space<vmem>>, vector<1x1x1x64xf32>
    %swap3A_875 = vector.shape_cast %swap3A_874 : vector<1x1x1x64xf32> to vector<1x64xf32>
    %swap3A_876 = vector.shape_cast %slice3A_866 : vector<1x64xf32> to vector<1x1x1x64xf32>
    tpu.vector_store %arg6[%swap3A_870, %swap3A_871, %swap3A_872, %swap3A_873], %swap3A_876 {strides = array<i32>} : memref<1x1x2048x64xf32, #tpu.memory_space<vmem>>, vector<1x1x1x64xf32>,
    %slice3A_877 = vector.extract_strided_slice %dot_general3A_587 {offsets = [25, 0], sizes = [1, 64], strides = [1, 1]} : vector<40x64xf32> to vector<1x64xf32>
    %get3A_878 = arith.index_cast %add3A : i32 to index
    %get3A_879 = arith.constant 25 : index
    %get3A_880 = memref.load %arg2[%get3A_878, %get3A_879] : memref<64x128xi32, #tpu.memory_space<smem>>
    %swap3A_881 = arith.constant 0 : index
    %swap3A_882 = arith.constant 0 : index
    %swap3A_883 = arith.index_cast %get3A_880 : i32 to index
    %swap3A_884 = arith.constant 0 : index
    %swap3A_885 = vector.load %arg6[%swap3A_881, %swap3A_882, %swap3A_883, %swap3A_884] : memref<1x1x2048x64xf32, #tpu.memory_space<vmem>>, vector<1x1x1x64xf32>
    %swap3A_886 = vector.shape_cast %swap3A_885 : vector<1x1x1x64xf32> to vector<1x64xf32>
    %swap3A_887 = vector.shape_cast %slice3A_877 : vector<1x64xf32> to vector<1x1x1x64xf32>
    tpu.vector_store %arg6[%swap3A_881, %swap3A_882, %swap3A_883, %swap3A_884], %swap3A_887 {strides = array<i32>} : memref<1x1x2048x64xf32, #tpu.memory_space<vmem>>, vector<1x1x1x64xf32>,
    %slice3A_888 = vector.extract_strided_slice %dot_general3A_587 {offsets = [26, 0], sizes = [1, 64], strides = [1, 1]} : vector<40x64xf32> to vector<1x64xf32>
    %get3A_889 = arith.index_cast %add3A : i32 to index
    %get3A_890 = arith.constant 26 : index
    %get3A_891 = memref.load %arg2[%get3A_889, %get3A_890] : memref<64x128xi32, #tpu.memory_space<smem>>
    %swap3A_892 = arith.constant 0 : index
    %swap3A_893 = arith.constant 0 : index
    %swap3A_894 = arith.index_cast %get3A_891 : i32 to index
    %swap3A_895 = arith.constant 0 : index
    %swap3A_896 = vector.load %arg6[%swap3A_892, %swap3A_893, %swap3A_894, %swap3A_895] : memref<1x1x2048x64xf32, #tpu.memory_space<vmem>>, vector<1x1x1x64xf32>
    %swap3A_897 = vector.shape_cast %swap3A_896 : vector<1x1x1x64xf32> to vector<1x64xf32>
    %swap3A_898 = vector.shape_cast %slice3A_888 : vector<1x64xf32> to vector<1x1x1x64xf32>
    tpu.vector_store %arg6[%swap3A_892, %swap3A_893, %swap3A_894, %swap3A_895], %swap3A_898 {strides = array<i32>} : memref<1x1x2048x64xf32, #tpu.memory_space<vmem>>, vector<1x1x1x64xf32>,
    %slice3A_899 = vector.extract_strided_slice %dot_general3A_587 {offsets = [27, 0], sizes = [1, 64], strides = [1, 1]} : vector<40x64xf32> to vector<1x64xf32>
    %get3A_900 = arith.index_cast %add3A : i32 to index
    %get3A_901 = arith.constant 27 : index
    %get3A_902 = memref.load %arg2[%get3A_900, %get3A_901] : memref<64x128xi32, #tpu.memory_space<smem>>
    %swap3A_903 = arith.constant 0 : index
    %swap3A_904 = arith.constant 0 : index
    %swap3A_905 = arith.index_cast %get3A_902 : i32 to index
    %swap3A_906 = arith.constant 0 : index
    %swap3A_907 = vector.load %arg6[%swap3A_903, %swap3A_904, %swap3A_905, %swap3A_906] : memref<1x1x2048x64xf32, #tpu.memory_space<vmem>>, vector<1x1x1x64xf32>
    %swap3A_908 = vector.shape_cast %swap3A_907 : vector<1x1x1x64xf32> to vector<1x64xf32>
    %swap3A_909 = vector.shape_cast %slice3A_899 : vector<1x64xf32> to vector<1x1x1x64xf32>
    tpu.vector_store %arg6[%swap3A_903, %swap3A_904, %swap3A_905, %swap3A_906], %swap3A_909 {strides = array<i32>} : memref<1x1x2048x64xf32, #tpu.memory_space<vmem>>, vector<1x1x1x64xf32>,
    %slice3A_910 = vector.extract_strided_slice %dot_general3A_587 {offsets = [28, 0], sizes = [1, 64], strides = [1, 1]} : vector<40x64xf32> to vector<1x64xf32>
    %get3A_911 = arith.index_cast %add3A : i32 to index
    %get3A_912 = arith.constant 28 : index
    %get3A_913 = memref.load %arg2[%get3A_911, %get3A_912] : memref<64x128xi32, #tpu.memory_space<smem>>
    %swap3A_914 = arith.constant 0 : index
    %swap3A_915 = arith.constant 0 : index
    %swap3A_916 = arith.index_cast %get3A_913 : i32 to index
    %swap3A_917 = arith.constant 0 : index
    %swap3A_918 = vector.load %arg6[%swap3A_914, %swap3A_915, %swap3A_916, %swap3A_917] : memref<1x1x2048x64xf32, #tpu.memory_space<vmem>>, vector<1x1x1x64xf32>
    %swap3A_919 = vector.shape_cast %swap3A_918 : vector<1x1x1x64xf32> to vector<1x64xf32>
    %swap3A_920 = vector.shape_cast %slice3A_910 : vector<1x64xf32> to vector<1x1x1x64xf32>
    tpu.vector_store %arg6[%swap3A_914, %swap3A_915, %swap3A_916, %swap3A_917], %swap3A_920 {strides = array<i32>} : memref<1x1x2048x64xf32, #tpu.memory_space<vmem>>, vector<1x1x1x64xf32>,
    %slice3A_921 = vector.extract_strided_slice %dot_general3A_587 {offsets = [29, 0], sizes = [1, 64], strides = [1, 1]} : vector<40x64xf32> to vector<1x64xf32>
    %get3A_922 = arith.index_cast %add3A : i32 to index
    %get3A_923 = arith.constant 29 : index
    %get3A_924 = memref.load %arg2[%get3A_922, %get3A_923] : memref<64x128xi32, #tpu.memory_space<smem>>
    %swap3A_925 = arith.constant 0 : index
    %swap3A_926 = arith.constant 0 : index
    %swap3A_927 = arith.index_cast %get3A_924 : i32 to index
    %swap3A_928 = arith.constant 0 : index
    %swap3A_929 = vector.load %arg6[%swap3A_925, %swap3A_926, %swap3A_927, %swap3A_928] : memref<1x1x2048x64xf32, #tpu.memory_space<vmem>>, vector<1x1x1x64xf32>
    %swap3A_930 = vector.shape_cast %swap3A_929 : vector<1x1x1x64xf32> to vector<1x64xf32>
    %swap3A_931 = vector.shape_cast %slice3A_921 : vector<1x64xf32> to vector<1x1x1x64xf32>
    tpu.vector_store %arg6[%swap3A_925, %swap3A_926, %swap3A_927, %swap3A_928], %swap3A_931 {strides = array<i32>} : memref<1x1x2048x64xf32, #tpu.memory_space<vmem>>, vector<1x1x1x64xf32>,
    %slice3A_932 = vector.extract_strided_slice %dot_general3A_587 {offsets = [30, 0], sizes = [1, 64], strides = [1, 1]} : vector<40x64xf32> to vector<1x64xf32>
    %get3A_933 = arith.index_cast %add3A : i32 to index
    %get3A_934 = arith.constant 30 : index
    %get3A_935 = memref.load %arg2[%get3A_933, %get3A_934] : memref<64x128xi32, #tpu.memory_space<smem>>
    %swap3A_936 = arith.constant 0 : index
    %swap3A_937 = arith.constant 0 : index
    %swap3A_938 = arith.index_cast %get3A_935 : i32 to index
    %swap3A_939 = arith.constant 0 : index
    %swap3A_940 = vector.load %arg6[%swap3A_936, %swap3A_937, %swap3A_938, %swap3A_939] : memref<1x1x2048x64xf32, #tpu.memory_space<vmem>>, vector<1x1x1x64xf32>
    %swap3A_941 = vector.shape_cast %swap3A_940 : vector<1x1x1x64xf32> to vector<1x64xf32>
    %swap3A_942 = vector.shape_cast %slice3A_932 : vector<1x64xf32> to vector<1x1x1x64xf32>
    tpu.vector_store %arg6[%swap3A_936, %swap3A_937, %swap3A_938, %swap3A_939], %swap3A_942 {strides = array<i32>} : memref<1x1x2048x64xf32, #tpu.memory_space<vmem>>, vector<1x1x1x64xf32>,
    %slice3A_943 = vector.extract_strided_slice %dot_general3A_587 {offsets = [31, 0], sizes = [1, 64], strides = [1, 1]} : vector<40x64xf32> to vector<1x64xf32>
    %get3A_944 = arith.index_cast %add3A : i32 to index
    %get3A_945 = arith.constant 31 : index
    %get3A_946 = memref.load %arg2[%get3A_944, %get3A_945] : memref<64x128xi32, #tpu.memory_space<smem>>
    %swap3A_947 = arith.constant 0 : index
    %swap3A_948 = arith.constant 0 : index
    %swap3A_949 = arith.index_cast %get3A_946 : i32 to index
    %swap3A_950 = arith.constant 0 : index
    %swap3A_951 = vector.load %arg6[%swap3A_947, %swap3A_948, %swap3A_949, %swap3A_950] : memref<1x1x2048x64xf32, #tpu.memory_space<vmem>>, vector<1x1x1x64xf32>
    %swap3A_952 = vector.shape_cast %swap3A_951 : vector<1x1x1x64xf32> to vector<1x64xf32>
    %swap3A_953 = vector.shape_cast %slice3A_943 : vector<1x64xf32> to vector<1x1x1x64xf32>
    tpu.vector_store %arg6[%swap3A_947, %swap3A_948, %swap3A_949, %swap3A_950], %swap3A_953 {strides = array<i32>} : memref<1x1x2048x64xf32, #tpu.memory_space<vmem>>, vector<1x1x1x64xf32>,
    %slice3A_954 = vector.extract_strided_slice %dot_general3A_587 {offsets = [32, 0], sizes = [1, 64], strides = [1, 1]} : vector<40x64xf32> to vector<1x64xf32>
    %get3A_955 = arith.index_cast %add3A : i32 to index
    %get3A_956 = arith.constant 32 : index
    %get3A_957 = memref.load %arg2[%get3A_955, %get3A_956] : memref<64x128xi32, #tpu.memory_space<smem>>
    %swap3A_958 = arith.constant 0 : index
    %swap3A_959 = arith.constant 0 : index
    %swap3A_960 = arith.index_cast %get3A_957 : i32 to index
    %swap3A_961 = arith.constant 0 : index
    %swap3A_962 = vector.load %arg6[%swap3A_958, %swap3A_959, %swap3A_960, %swap3A_961] : memref<1x1x2048x64xf32, #tpu.memory_space<vmem>>, vector<1x1x1x64xf32>
    %swap3A_963 = vector.shape_cast %swap3A_962 : vector<1x1x1x64xf32> to vector<1x64xf32>
    %swap3A_964 = vector.shape_cast %slice3A_954 : vector<1x64xf32> to vector<1x1x1x64xf32>
    tpu.vector_store %arg6[%swap3A_958, %swap3A_959, %swap3A_960, %swap3A_961], %swap3A_964 {strides = array<i32>} : memref<1x1x2048x64xf32, #tpu.memory_space<vmem>>, vector<1x1x1x64xf32>,
    %slice3A_965 = vector.extract_strided_slice %dot_general3A_587 {offsets = [33, 0], sizes = [1, 64], strides = [1, 1]} : vector<40x64xf32> to vector<1x64xf32>
    %get3A_966 = arith.index_cast %add3A : i32 to index
    %get3A_967 = arith.constant 33 : index
    %get3A_968 = memref.load %arg2[%get3A_966, %get3A_967] : memref<64x128xi32, #tpu.memory_space<smem>>
    %swap3A_969 = arith.constant 0 : index
    %swap3A_970 = arith.constant 0 : index
    %swap3A_971 = arith.index_cast %get3A_968 : i32 to index
    %swap3A_972 = arith.constant 0 : index
    %swap3A_973 = vector.load %arg6[%swap3A_969, %swap3A_970, %swap3A_971, %swap3A_972] : memref<1x1x2048x64xf32, #tpu.memory_space<vmem>>, vector<1x1x1x64xf32>
    %swap3A_974 = vector.shape_cast %swap3A_973 : vector<1x1x1x64xf32> to vector<1x64xf32>
    %swap3A_975 = vector.shape_cast %slice3A_965 : vector<1x64xf32> to vector<1x1x1x64xf32>
    tpu.vector_store %arg6[%swap3A_969, %swap3A_970, %swap3A_971, %swap3A_972], %swap3A_975 {strides = array<i32>} : memref<1x1x2048x64xf32, #tpu.memory_space<vmem>>, vector<1x1x1x64xf32>,
    %slice3A_976 = vector.extract_strided_slice %dot_general3A_587 {offsets = [34, 0], sizes = [1, 64], strides = [1, 1]} : vector<40x64xf32> to vector<1x64xf32>
    %get3A_977 = arith.index_cast %add3A : i32 to index
    %get3A_978 = arith.constant 34 : index
    %get3A_979 = memref.load %arg2[%get3A_977, %get3A_978] : memref<64x128xi32, #tpu.memory_space<smem>>
    %swap3A_980 = arith.constant 0 : index
    %swap3A_981 = arith.constant 0 : index
    %swap3A_982 = arith.index_cast %get3A_979 : i32 to index
    %swap3A_983 = arith.constant 0 : index
    %swap3A_984 = vector.load %arg6[%swap3A_980, %swap3A_981, %swap3A_982, %swap3A_983] : memref<1x1x2048x64xf32, #tpu.memory_space<vmem>>, vector<1x1x1x64xf32>
    %swap3A_985 = vector.shape_cast %swap3A_984 : vector<1x1x1x64xf32> to vector<1x64xf32>
    %swap3A_986 = vector.shape_cast %slice3A_976 : vector<1x64xf32> to vector<1x1x1x64xf32>
    tpu.vector_store %arg6[%swap3A_980, %swap3A_981, %swap3A_982, %swap3A_983], %swap3A_986 {strides = array<i32>} : memref<1x1x2048x64xf32, #tpu.memory_space<vmem>>, vector<1x1x1x64xf32>,
    %slice3A_987 = vector.extract_strided_slice %dot_general3A_587 {offsets = [35, 0], sizes = [1, 64], strides = [1, 1]} : vector<40x64xf32> to vector<1x64xf32>
    %get3A_988 = arith.index_cast %add3A : i32 to index
    %get3A_989 = arith.constant 35 : index
    %get3A_990 = memref.load %arg2[%get3A_988, %get3A_989] : memref<64x128xi32, #tpu.memory_space<smem>>
    %swap3A_991 = arith.constant 0 : index
    %swap3A_992 = arith.constant 0 : index
    %swap3A_993 = arith.index_cast %get3A_990 : i32 to index
    %swap3A_994 = arith.constant 0 : index
    %swap3A_995 = vector.load %arg6[%swap3A_991, %swap3A_992, %swap3A_993, %swap3A_994] : memref<1x1x2048x64xf32, #tpu.memory_space<vmem>>, vector<1x1x1x64xf32>
    %swap3A_996 = vector.shape_cast %swap3A_995 : vector<1x1x1x64xf32> to vector<1x64xf32>
    %swap3A_997 = vector.shape_cast %slice3A_987 : vector<1x64xf32> to vector<1x1x1x64xf32>
    tpu.vector_store %arg6[%swap3A_991, %swap3A_992, %swap3A_993, %swap3A_994], %swap3A_997 {strides = array<i32>} : memref<1x1x2048x64xf32, #tpu.memory_space<vmem>>, vector<1x1x1x64xf32>,
    %slice3A_998 = vector.extract_strided_slice %dot_general3A_587 {offsets = [36, 0], sizes = [1, 64], strides = [1, 1]} : vector<40x64xf32> to vector<1x64xf32>
    %get3A_999 = arith.index_cast %add3A : i32 to index
    %get3A_1000 = arith.constant 36 : index
    %get3A_1001 = memref.load %arg2[%get3A_999, %get3A_1000] : memref<64x128xi32, #tpu.memory_space<smem>>
    %swap3A_1002 = arith.constant 0 : index
    %swap3A_1003 = arith.constant 0 : index
    %swap3A_1004 = arith.index_cast %get3A_1001 : i32 to index
    %swap3A_1005 = arith.constant 0 : index
    %swap3A_1006 = vector.load %arg6[%swap3A_1002, %swap3A_1003, %swap3A_1004, %swap3A_1005] : memref<1x1x2048x64xf32, #tpu.memory_space<vmem>>, vector<1x1x1x64xf32>
    %swap3A_1007 = vector.shape_cast %swap3A_1006 : vector<1x1x1x64xf32> to vector<1x64xf32>
    %swap3A_1008 = vector.shape_cast %slice3A_998 : vector<1x64xf32> to vector<1x1x1x64xf32>
    tpu.vector_store %arg6[%swap3A_1002, %swap3A_1003, %swap3A_1004, %swap3A_1005], %swap3A_1008 {strides = array<i32>} : memref<1x1x2048x64xf32, #tpu.memory_space<vmem>>, vector<1x1x1x64xf32>,
    %slice3A_1009 = vector.extract_strided_slice %dot_general3A_587 {offsets = [37, 0], sizes = [1, 64], strides = [1, 1]} : vector<40x64xf32> to vector<1x64xf32>
    %get3A_1010 = arith.index_cast %add3A : i32 to index
    %get3A_1011 = arith.constant 37 : index
    %get3A_1012 = memref.load %arg2[%get3A_1010, %get3A_1011] : memref<64x128xi32, #tpu.memory_space<smem>>
    %swap3A_1013 = arith.constant 0 : index
    %swap3A_1014 = arith.constant 0 : index
    %swap3A_1015 = arith.index_cast %get3A_1012 : i32 to index
    %swap3A_1016 = arith.constant 0 : index
    %swap3A_1017 = vector.load %arg6[%swap3A_1013, %swap3A_1014, %swap3A_1015, %swap3A_1016] : memref<1x1x2048x64xf32, #tpu.memory_space<vmem>>, vector<1x1x1x64xf32>
    %swap3A_1018 = vector.shape_cast %swap3A_1017 : vector<1x1x1x64xf32> to vector<1x64xf32>
    %swap3A_1019 = vector.shape_cast %slice3A_1009 : vector<1x64xf32> to vector<1x1x1x64xf32>
    tpu.vector_store %arg6[%swap3A_1013, %swap3A_1014, %swap3A_1015, %swap3A_1016], %swap3A_1019 {strides = array<i32>} : memref<1x1x2048x64xf32, #tpu.memory_space<vmem>>, vector<1x1x1x64xf32>,
    %slice3A_1020 = vector.extract_strided_slice %dot_general3A_587 {offsets = [38, 0], sizes = [1, 64], strides = [1, 1]} : vector<40x64xf32> to vector<1x64xf32>
    %get3A_1021 = arith.index_cast %add3A : i32 to index
    %get3A_1022 = arith.constant 38 : index
    %get3A_1023 = memref.load %arg2[%get3A_1021, %get3A_1022] : memref<64x128xi32, #tpu.memory_space<smem>>
    %swap3A_1024 = arith.constant 0 : index
    %swap3A_1025 = arith.constant 0 : index
    %swap3A_1026 = arith.index_cast %get3A_1023 : i32 to index
    %swap3A_1027 = arith.constant 0 : index
    %swap3A_1028 = vector.load %arg6[%swap3A_1024, %swap3A_1025, %swap3A_1026, %swap3A_1027] : memref<1x1x2048x64xf32, #tpu.memory_space<vmem>>, vector<1x1x1x64xf32>
    %swap3A_1029 = vector.shape_cast %swap3A_1028 : vector<1x1x1x64xf32> to vector<1x64xf32>
    %swap3A_1030 = vector.shape_cast %slice3A_1020 : vector<1x64xf32> to vector<1x1x1x64xf32>
    tpu.vector_store %arg6[%swap3A_1024, %swap3A_1025, %swap3A_1026, %swap3A_1027], %swap3A_1030 {strides = array<i32>} : memref<1x1x2048x64xf32, #tpu.memory_space<vmem>>, vector<1x1x1x64xf32>,
    %slice3A_1031 = vector.extract_strided_slice %dot_general3A_587 {offsets = [39, 0], sizes = [1, 64], strides = [1, 1]} : vector<40x64xf32> to vector<1x64xf32>
    %get3A_1032 = arith.index_cast %add3A : i32 to index
    %get3A_1033 = arith.constant 39 : index
    %get3A_1034 = memref.load %arg2[%get3A_1032, %get3A_1033] : memref<64x128xi32, #tpu.memory_space<smem>>
    %swap3A_1035 = arith.constant 0 : index
    %swap3A_1036 = arith.constant 0 : index
    %swap3A_1037 = arith.index_cast %get3A_1034 : i32 to index
    %swap3A_1038 = arith.constant 0 : index
    %swap3A_1039 = vector.load %arg6[%swap3A_1035, %swap3A_1036, %swap3A_1037, %swap3A_1038] : memref<1x1x2048x64xf32, #tpu.memory_space<vmem>>, vector<1x1x1x64xf32>
    %swap3A_1040 = vector.shape_cast %swap3A_1039 : vector<1x1x1x64xf32> to vector<1x64xf32>
    %swap3A_1041 = vector.shape_cast %slice3A_1031 : vector<1x64xf32> to vector<1x1x1x64xf32>
    tpu.vector_store %arg6[%swap3A_1035, %swap3A_1036, %swap3A_1037, %swap3A_1038], %swap3A_1041 {strides = array<i32>} : memref<1x1x2048x64xf32, #tpu.memory_space<vmem>>, vector<1x1x1x64xf32>,
    return
  }
  func.func @transform_0(%arg0: i32, %arg1: i32, %arg2: memref<64x128xi32, #tpu.memory_space<smem>>) -> (i32, i32, i32, i32) {
    %c0_i32 = arith.constant 0 : i32
    %c0_i32_0 = arith.constant 0 : i32
    %c0_i32_1 = arith.constant 0 : i32
    return %arg0, %arg1, %c0_i32, %c0_i32_0 : i32, i32, i32, i32
  }
  func.func @transform_1(%arg0: i32, %arg1: i32, %arg2: memref<64x128xi32, #tpu.memory_space<smem>>) -> (i32, i32, i32, i32) {
    %c0_i32 = arith.constant 0 : i32
    %c0_i32_0 = arith.constant 0 : i32
    %c0_i32_1 = arith.constant 0 : i32
    return %arg0, %arg1, %c0_i32, %c0_i32_0 : i32, i32, i32, i32
  }
  func.func @transform_2(%arg0: i32, %arg1: i32, %arg2: memref<64x128xi32, #tpu.memory_space<smem>>) -> (i32, i32, i32, i32) {
    %c0_i32 = arith.constant 0 : i32
    %c0_i32_0 = arith.constant 0 : i32
    %c0_i32_1 = arith.constant 0 : i32
    return %arg0, %arg1, %c0_i32, %c0_i32_0 : i32, i32, i32, i32
  }
  func.func @transform_3(%arg0: i32, %arg1: i32, %arg2: memref<64x128xi32, #tpu.memory_space<smem>>) -> (i32, i32, i32, i32) {
    %c0_i32 = arith.constant 0 : i32
    %c0_i32_0 = arith.constant 0 : i32
    %c0_i32_1 = arith.constant 0 : i32
    return %arg0, %arg1, %c0_i32, %c0_i32_0 : i32, i32, i32, i32
  }
}

</mosaic_0001>

<sc_bundles>
// kernel: sparse-core-data-format-call.cloned.1.call-start
scs
called_computation_lowered:
.L_overlay_start_0:
0x0: {  	s2 =	sld [smem:$0x3FD9]  }
0x1: {  	s3 =	sld [smem:$0x3FFE];
	_ =	sdelay $0x1  }
0x2: {  	s1 =	srdreg.scid  }
0x3: {  	s0 =	sand.u32 $0x1, s1  }
0x4: {  	s18 =	sshll.u32 s0, $0xA;
	s2 =	sadd.s32 s3, s2  }
0x5: {  	s2 =	sadd.s32 s2, s18  }
0x6: {  	[smem:$0x3FC5] =	sst s2  }
0x7: {  	_ = 	snop  }
0x8: {  	s2 =	sld [smem:$0x3FD0];
	(tm) =	ssettm $0x1  }
0x9: {  	s19 =	sld [smem:$0x3FFB];
	_ =	sdelay $0x3  }
0xa: {  	_ =	strace s19  }
0xb: {  	s3 =	sld [smem:$0x3FFC];
	_ =	sdelay $0x3  }
0xc: {  	_ =	strace s3  }
0xd: {  	s3 =	sld [smem:$0x3FFD];
	_ =	sdelay $0x3  }
0xe: {  	_ =	strace s3  }
0xf: {  	_ =	strace $0x8FFFFFFF  }
0x10: {  	s20 =	sld [smem:$0x3FDB];
	_ =	sdelay $0x1  }
0x11: {  	s4 =	simm.s32 $_scs_section_size  }
0x12: {  	s5 =	simm.s32 $_size__tile_overlayer_lowered;
	s6 =	simm.s32 $_tile_overlayer_lowered  }
0x13: {  	s23 =	simm.s32 $0x1BFF;
	s22 =	sshll.u32 s6, $0x1;
	s3 =	sadd.s32 s4, s20  }
0x14: {  	s7 =	simm.s32 $0x0;
	s21 =	sshll.u32 s5, $0x1;
	s5 =	sadd.s32 s22, s3  }
0x15: {  	[timem:s7], [sflag:s23] =	dma.local [hbm:s5], s21  }
0x16: {  	_ =	swait.ge [sflag:s23], s21  }
0x17: {  	s4 =	ssub.s32 $0x0, s21;
	[sflag:s23] =	ssyncset.done $0x0  }
0x18: {  	[sflag:s23] =	ssyncadd.s32 s4;
	_ =	sdelay $0x1  }
0x19: {  	s24 =	simm.s32 $0x1B8B  }
0x1a: {  	_ =	swait.ge [sflag:s24], $0x1  }
0x1b: {  	[sflag:s24] =	ssyncset.done $0x0  }
0x1c: {  	s26 =	simm.s32 $0x1B8E;
	s25 =	sld [smem:$0x3FFE];
	[sflag:s24] =	ssyncadd.s32 $0xFFFFFFFF  }
0x1d: {  	s27 =	simm.s32 $execute0_lowered;
	[smem:$0x3FD2] =	sst s26  }
0x1e: {  	s5 =	sshll.u32 s27, $0x1;
	_ =	strace $0x80000046;
	[dreg:$0x1] =	wrdreg $0xFFFFFFFF  }
0x1f: {  	s28 =	simm.s32 $_size_execute0_lowered;
	s3 =	sadd.s32 s3, s5;
	[dreg:$0x0] =	wrdreg $0x0  }
0x20: {  	s5 =	sshll.u32 s28, $0x1;
	[dreg:$0x2] =	wrdreg s3  }
0x21: {  	[dreg:$0x3] =	wrdreg s5  }
0x22: {  	[dreg:$0x4] =	wrdreg $0xC0  }
0x23: {  	_ =	task [dreg:s7], $0x5FFFF  }
0x24: {  	[dreg:$0x1] =	wrdreg $0xFFFFFFFF  }
0x25: {  	[dreg:$0x0] =	wrdreg $0x60  }
0x26: {  	[dreg:$0x2] =	wrdreg s25  }
0x27: {  	[dreg:$0x3] =	wrdreg s2  }
0x28: {  	[dreg:$0x4] =	wrdreg $0x9  }
0x29: {  	_ =	task.clear_ibuf [dreg:s7], $0x5FFFF;
	_ =	strace $0x90000046  }
0x2a: {  	s29 =	simm.s32 $0x9;
	_ =	strace $0x80000048  }
0x2b: {  	_ =	swait.ge [sflag:s29], $0x1  }
0x2c: {  	[sflag:s29] =	ssyncadd.s32 $0xFFFFFFFF  }
0x2d: {  	_ =	strace $0x90000048  }
0x2e: {  	_ =	sfence  }
0x2f: {  	s30 =	sld [smem:$0x0];
	_ =	sdelay $0x2  }
0x30: {  	s31 =	sshll.u32 s1, $0xD;
	s1 =	sshrl.u32 s1, $0x2  }
0x31: {  	s3 =	sand.u32 $0x4000, s31;
	s1 =	sadd.s32 s1, s30  }
0x32: {  	s0 =	sor.u32 s3, s0;
	s1 =	sshll.u32 s1, $0x11  }
0x33: {  	s0 =	sor.u32 s1, s0  }
0x34: {  	s0 =	sadd.s32 $0x8F2B, s0  }
0x35: {  	[sflag:s0] =	ssyncadd.remote.s32 $0x1  }
0x36: {  	_ =	sfence.sel $0xFFFF  }
0x37: {  	[dreg:$0x0] =	wrdreg $0xFFFFFFFF;
	(pc) =	sbr.abs _section_cstart, $3  }
0x38: {  	[dreg:$0x1] =	wrdreg $0xFFFFFFFF  }
0x39: {  	_ =	task.clear_ibuf [dreg:s7], $0x2FFFF;
	_ =	strace $0x9FFFFFFF  }
0x3a: {  	(tm) =	ssettm $0x7FFFFFFF  }
0x3b: {  	_ =	shalt  }
tec
execute0_lowered:
.L_overlay_start_1:
0x0: {  	(tag) =	ssettag $0x1  }
0x1: {  	s1 =	srdreg.scid;
	s8 =	rddreg [dreg:$0x0]  }
0x2: {  	s0 =	stileid.u32;
	s3 =	rddreg [dreg:$0x1];
	s1 =	sshll.u32 s1, $0x4  }
0x3: {  	s7 =	simm.s32 $0x0;
	s5 =	simm.s32 $0x1;
	s1 =	sor.u32 s0, s1  }
0x4: {  	s9 =	simm.s32 $0x2;
	s15 =	simm.s32 $0x0;
	s1 =	sshrl.u32 s1, $0x1  }
0x5: {  	s10 =	simm.s32 $0x4000;
	s16 =	simm.s32 $0x0;
	s2 =	sand.u32 $0xE, s1  }
0x6: {  	s17 =	simm.s32 $0x0;
	s11 =	simm.s32 $0x0;
	s6 =	ssub.s32 $0x10, s2  }
0x7: {  	s14 =	simm.s32 $0x0;
	s1 =	rddreg [dreg:$0x2];
	s4 =	sand.u32 $0xE, s6  }
.Ltmp0:
0x8: {  	_ =	strace $0x80000047;
	p0 =	seq.s32 s4, $0x0;
	(pc) =	sbr.rel .LBB1_1-.Ltmp0, $4  }
0x9: {  	[sflag:s5] =	ssyncpa.u1 $0x0;
	s12 =	smov.u32 s2;
	s7 =	simm.s32 @!p0 $0x10  }
0xa: {  	[sflag:s9] =	ssyncpa.u1 $0x0;
	s4 =	sadd.s32 $0x601400, s8;
	s7 =	sadd.s32 s6, s7  }
0xb: {  	s8 =	sadd.s32 $0x609400, s8;
	s6 =	sand.u32 $0x3, s0;
	s7 =	sand.u32 $0x30, s7  }
0xc: {  	p0 =	por $0x0, $0x0;
	s13 =	smov.u32 s6;
	s9 =	sor.u32 $0x1, s7  }
.LBB1_7:
0xd: {  	s18 =	sadd.s32 $0x80, s11  }
0xe: {  	s15 =	sadd.s32 $0x10, s12;
	s19 =	smov.u32 s12;
	p2 =	sgt.s32 s18, $0x7FF  }
0xf: {  	s19 =	smov.u32 @p2 s15  }
0x10: {  	s21 =	smov.u32 s13;
	s15 =	sadd.s32 $0x4, s13;
	p3 =	sgt.s32 s19, $0xF  }
0x11: {  	s21 =	smov.u32 @p3 s15  }
0x12: {  	s18 =	simm.s32 @p2 $0x0;
	p2 =	sgt.s32 s21, $0x3  }
0x13: {  	p1 =	slt.u32 s14, $0x2;
	s21 =	smov.u32 @p2 s6;
	p2 =	sne.s32 s14, s9  }
.Ltmp1:
0x14: {  	s20 =	simm.s32 @!p1 $0x2;
	(pc) =	sbr.rel @!p2 .LBB1_8-.Ltmp1, $4  }
0x15: {  	s16 =	smov.u32 s12;
	s17 =	smov.u32 s13;
	_ =	swait.ge @!p1 [sflag:s20], $0x4000  }
0x16: {  	p0 =	por !p0, !p0;
	[sflag:s20] =	ssyncset.done @!p1 $0x0;
	s19 =	smov.u32 @p3 s2  }
0x17: {  	s15 =	smov.u32 s11;
	[sflag:s20] =	ssyncadd.s32 @!p1 $0xFFFFC000;
	s11 =	smov.u32 s18  }
0x18: {  	s12 =	smov.u32 s19;
	s14 =	sadd.s32 $0x1, s14;
	s13 =	smov.u32 s21  }
.LBB1_1:
0x19: {  	p1 =	sge.u32 s14, s7  }
0x1a: {  	s18 =	sxor.u32 @!p1 $0xFFFFFFFF, s14;
	s19 =	sshll.u32 @!p1 s13, $0x13  }
0x1b: {  	s20 =	sshll.u32 @!p1 s12, $0xF;
	s22 =	sshll.u32 @!p1 s11, $0x4;
	s23 =	simm.s32 @!p1 $0x40  }
0x1c: {  	s24 =	simm.s32 @!p1 $0x80;
	s18 =	sshll.u32 @!p1 s18, $0xE;
	s21 =	sadd.s32 @!p1 s19, s20  }
0x1d: {  	s22 =	sand.u32 @!p1 $0x7FF0, s22;
	s19 =	sadd.s32 @!p1 s19, s8;
	s21 =	sadd.s32 @!p1 s4, s21  }
0x1e: {  	s18 =	sand.u32 @!p1 $0x4000, s18;
	s19 =	sadd.s32 @!p1 s20, s19;
	s21 =	sadd.s32 @!p1 s22, s21  }
0x1f: {  	[tilespmem:s18], [sflag:$0x1] =	stream.strided.gather @!p1 [hbm4b:s21+s23], $0x2000, s24, s23, $0x38;
	[tilespmem:$0x10100] =	vst v63  }
0x20: {  	s31 =	sadd.s32 $0xFFFFFFFF, s14;
	s19 =	sadd.s32 @!p1 s22, s19;
	s18 =	sor.u32 @!p1 $0x2000, s18  }
0x21: {  	[tilespmem:s18], [sflag:$0x1] =	stream.strided.gather @!p1 [hbm4b:s19+s23], $0x2000, s24, s23, $0x38;
	[tilespmem:$0x10100] =	vst v63  }
0x22: {  	p1 =	sge.u32 s31, s7  }
.Ltmp2:
0x23: {  	_ = 	snop;
	(pc) =	sbr.rel @p1 .LBB1_7-.Ltmp2, $1  }
0x24: {  	_ =	sdelay $0x3  }
0x25: {  	s18 =	simm.s32 $0x1;
	s20 =	sand.u32 $0x1, s14  }
0x26: {  	_ =	swait.ge [sflag:s5], $0x4000;
	s18 =	simm.s32 @!p0 $0x0;
	s20 =	smul.u32 $0x10200, s20  }
0x27: {  	p2 =	por $0x1, $0x1;
	[sflag:s5] =	ssyncset.done $0x0;
	s19 =	smul.u32 $0x10200, s18  }
0x28: {  	s21 =	sshll.u32 s18, $0x10;
	[sflag:s5] =	ssyncadd.s32 $0xFFFFC000;
	s30 =	sshrl.u32 s20, $0x2  }
0x29: {  	s31 =	sshrl.u32 s21, $0x2;
	s21 =	simm.s32 $0x0;
	s19 =	sshrl.u32 s19, $0x2  }
0x2a: {  	s18 =	sor.u32 $0x8000, s30;
	s20 =	sadd.s32 $0x20, s31;
	s19 =	sor.u32 $0x8000, s19  }
.LBB1_3:
0x2b: {  	s22 =	sshll.u32 s21, $0xD  }
0x2c: {  	s22 =	sand.u32 $0x3FFFE000, s22  }
0x2d: {  	s24 =	sadd.s32 s22, s20  }
0x2e: {  	s31 =	smul.u32 $0x8100, s21;
	v3 =	vld [tilespmem:s24+$0x10]  }
0x2f: {  	v1 =	vld [tilespmem:s24+$0xFFFFFFF0]  }
0x30: {  	s21 =	sshra.s32 s31, $0x2;
	v0 =	vld [tilespmem:s24+$0x0]  }
0x31: {  	s21 =	sadd.s32 s21, s19;
	v2 =	vld [tilespmem:s24+$0xFFFFFFE0]  }
0x32: {  	s22 =	sadd.s32 $0x0, s21  }
0x33: {  	p1 =	por p2, p2;
	s23 =	simm.s32 $0x4;
	s24 =	sadd.s32 $0x40, s24;
	[tilespmem:s22+$0x1830 ss:$0x81] =	vst.msk $0xffff, v3  }
.LBB1_4:
0x34: {  	v3 =	vld [tilespmem:s24+$0x10];
	p2 =	sne.s32 s23, $0x1FC;
	[tilespmem:s22+$0x810 ss:$0x81] =	vst.msk $0xffff, v1;
	s25 =	smov.u32 s23;
	s23 =	sadd.s32 $0x4, s23  }
.Ltmp3:
0x35: {  	v1 =	vld [tilespmem:s24+$0xFFFFFFF0];
	[tilespmem:s22+$0x1020 ss:$0x81] =	vst.msk $0xffff, v0;
	(pc) =	sbr.rel @p2 .LBB1_4-.Ltmp3, $4  }
0x36: {  	v0 =	vld [tilespmem:s24+$0x0];
	[tilespmem:s22+$0x0 ss:$0x81] =	vst.msk $0xffff, v2  }
0x37: {  	s22 =	sshra.s32 s25, $0x2;
	v2 =	vld [tilespmem:s24+$0xFFFFFFE0]  }
0x38: {  	s22 =	sadd.s32 s22, s21  }
0x39: {  	s24 =	sadd.s32 $0x40, s24;
	[tilespmem:s22+$0x1830 ss:$0x81] =	vst.msk $0xffff, v3  }
.Ltmp4:
0x3a: {  	(pc) =	sbr.rel @p1 .LBB1_3-.Ltmp4, $4  }
0x3b: {  	_ = 	snop  }
0x3c: {  	[tilespmem:s22+$0x810 ss:$0x81] =	vst.msk $0xffff, v1  }
0x3d: {  	[tilespmem:s22+$0x1020 ss:$0x81] =	vst.msk $0xffff, v0  }
0x3e: {  	s21 =	simm.s32 $0x1;
	p2 =	por $0x0, $0x0;
	[tilespmem:s22+$0x0 ss:$0x81] =	vst.msk $0xffff, v2  }
0x3f: {  	s19 =	sshll.u32 s15, $0x3;
	s20 =	sand.u32 $0x78, s15  }
0x40: {  	s17 =	sshll.u32 s17, $0x12;
	s16 =	sshll.u32 s16, $0xE;
	s29 =	sand.u32 $0x3F00, s15  }
.Ltmp5:
0x41: {  	s19 =	sand.u32 $0x400, s19;
	s17 =	sadd.s32 s3, s17;
	(pc) =	sbr.rel .LBB1_7-.Ltmp5, $4  }
0x42: {  	s30 =	sand.u32 $0x7, s15;
	s19 =	sor.u32 s20, s19;
	s16 =	sadd.s32 s16, s17  }
0x43: {  	s15 =	sshll.u32 s30, $0x12;
	s31 =	sshrl.u32 s19, $0x3;
	s16 =	sadd.s32 s29, s16  }
0x44: {  	s15 =	sor.u32 $0x400, s15;
	s16 =	sadd.s32 s31, s16  }
0x45: {  	[hbm4b:s16+s15] =	stream.strided.scatter [tilespmem:s18], [sflag:$0x2], $0x4000, s10, s15, $0x20;
	[tilespmem:$0x10100] =	vst v63  }
.LBB1_8:
0x46: {  	_ =	sfence.sel $0x180000  }
0x47: {  	s2 =	simm.s32 $0x1;
	[bflag:$0x0] =	sbarrier.arrive $0xFFFF  }
0x48: {  	s31 =	simm.s32 $0x2;
	[sflag:s2] =	ssyncpa.u1 $0x1  }
0x49: {  	[sflag:s31] =	ssyncpa.u1 $0x1  }
0x4a: {  	p0 =	sne.s32 s0, $0x0;
	_ =	strace $0x90000047  }
0x4b: {  	s0 =	sadd.s32 @!p0 $0x100000, s1;
	[bflag:$0x2] =	sbarrier.arrive $0xFFFF  }
0x4c: {  	[sflag:s0] =	ssyncadd.tile.s32 @!p0 $0x1;
	_ =	shalt  }
.Lfunc_end1:
_tile_overlayer_lowered:
.L_overlay_start_2:
0x4d: {  	(tag) =	ssettag $0x2  }
0x4e: {  	s0 =	rddreg [dreg:$0x0];
	s2 =	stileid.u32  }
0x4f: {  	s1 =	rddreg [dreg:$0x1];
	p0 =	sne.s32 s2, $0x0  }
0x50: {  	s3 =	rddreg [dreg:$0x2];
	[bflag:$0x3] =	sbarrier.arrive $0xFFFF;
	s2 =	simm.s32 @!p0 $0x1C01  }
0x51: {  	[timem:s3], [sflag:s2] =	dma.local @!p0 [hbm:s0], s1  }
0x52: {  	s0 =	simm.s32 @!p0 $0x1  }
0x53: {  	_ =	swait.ge @!p0 [sflag:s0], s1  }
0x54: {  	s1 =	ssub.s32 @!p0 $0x0, s1;
	[sflag:s0] =	ssyncset.done @!p0 $0x0  }
0x55: {  	[sflag:s0] =	ssyncadd.s32 @!p0 s1  }
0x56: {  	[bflag:$0x3] =	sbarrier.arrive $0xFFFF  }
0x57: {  	_ =	shalt  }

</sc_bundles>
